<compile_context>
chip_gen: v7x
topology: tpu7x:2x2x1
jax: 0.10.2.dev20260603
libtpu: 0.0.44.dev20260713+nightly
codegen_flags: <defaults>
</compile_context>

<pallas_src>
import functools

import jax
import jax.numpy as jnp
from jax import lax
from jax.experimental import pallas as pl
from jax.experimental.pallas import tpu as pltpu
from jax.experimental.pallas import tpu_sc as plsc

N = 10000
E = 320000
D = 128
H = 16
OUT = 128

NW = 32
NPT = 320
NPAD = NW * NPT
DUMP = NPT
ACCR = NPT + 16

C = 3200
NCHUNK = E // C
NV = C // 16
BSZ = 128
LCAP = C + BSZ + 32


def _sc_segmax_body(a_hbm, src_hbm, dst_hbm, out_hbm,
                    acc, srcb, dstb, msrc, mdst, rows, sem, sem_c):
    wid = lax.axis_index("s") * 2 + lax.axis_index("c")
    lo = wid * NPT

    def zrow(i, _):
        acc[i, :] = jnp.zeros((H,), jnp.float32)
        return 0

    lax.fori_loop(0, ACCR, zrow, 0)

    def process(b0, slot):
        def mbody(g, _):
            dvec = mdst[pl.ds(b0 + g * 16, 16)]
            dvec = jnp.minimum(jnp.maximum(dvec, 0), DUMP)
            for l in range(16):
                d = dvec[l]
                acc[d, :] = jnp.maximum(
                    acc[d, :], rows[slot, g * 16 + l, pl.ds(0, H)])
            return 0

        lax.fori_loop(0, BSZ // 16, mbody, 0)

    pltpu.async_copy(src_hbm.at[pl.ds(0, C)], srcb.at[0], sem_c)
    pltpu.async_copy(dst_hbm.at[pl.ds(0, C)], dstb.at[0], sem_c)

    def chunk_body(c, cnt):
        sl = c % 2
        pltpu.make_async_copy(src_hbm.at[pl.ds(0, C)], srcb.at[0], sem_c).wait()
        pltpu.make_async_copy(src_hbm.at[pl.ds(0, C)], srcb.at[0], sem_c).wait()

        @pl.when(c + 1 < NCHUNK)
        def _prefetch():
            nxt = (c + 1) * C
            pltpu.async_copy(src_hbm.at[pl.ds(nxt, C)], srcb.at[1 - sl], sem_c)
            pltpu.async_copy(dst_hbm.at[pl.ds(nxt, C)], dstb.at[1 - sl], sem_c)

        def fbody(i, cnt):
            for k in range(4):
                dv = dstb[sl, pl.ds((i * 4 + k) * 16, 16)]
                sv = srcb[sl, pl.ds((i * 4 + k) * 16, 16)]
                ge = 1 - lax.shift_right_logical(dv - lo, 31)
                lt = lax.shift_right_logical(dv - (lo + NPT), 31)
                match = ge * lt
                pos = plsc.cumsum(match)
                tgt = (cnt + pos - 1) * match + (LCAP - 1) * (1 - match)
                plsc.store_scatter(mdst, [tgt], dv - lo)
                plsc.store_scatter(msrc, [tgt], sv)
                cnt = cnt + jnp.sum(match)
            return cnt

        cnt = lax.fori_loop(0, NV // 4, fbody, cnt)

        @pl.when(cnt >= BSZ)
        def _fire0():
            pltpu.async_copy(
                a_hbm.at[msrc.at[pl.ds(0, BSZ)]], rows.at[0], sem.at[0])

        def batch_cond(b):
            return cnt - b >= BSZ

        def batch_body(b):
            b = pl.multiple_of(b, BSZ)
            slot = (b // BSZ) % 2
            pltpu.make_async_copy(
                a_hbm.at[pl.ds(0, BSZ)], rows.at[0], sem.at[slot]).wait()

            @pl.when(cnt - b >= 2 * BSZ)
            def _fire_next():
                b2 = pl.multiple_of(b + BSZ, BSZ)
                pltpu.async_copy(
                    a_hbm.at[msrc.at[pl.ds(b2, BSZ)]], rows.at[1 - slot],
                    sem.at[1 - slot])

            process(b, slot)
            return b + BSZ

        base = lax.while_loop(batch_cond, batch_body, 0)

        def move(g, _):
            msrc[pl.ds(g * 16, 16)] = msrc[pl.ds(base + g * 16, 16)]
            mdst[pl.ds(g * 16, 16)] = mdst[pl.ds(base + g * 16, 16)]
            return 0

        lax.fori_loop(0, BSZ // 16, move, 0)
        return cnt - base

    cnt = lax.fori_loop(0, NCHUNK, chunk_body, 0)

    mdst[pl.ds(cnt, 16)] = jnp.full((16,), DUMP, jnp.int32)
    msrc[pl.ds(cnt, 16)] = jnp.zeros((16,), jnp.int32)
    k16 = (cnt + 15) // 16

    def fire(g, _):
        idxv = msrc[pl.ds(g * 16, 16)]
        idxv = jnp.minimum(jnp.maximum(idxv, 0), N - 1)
        pltpu.async_copy(
            a_hbm.at[idxv], rows.at[0, pl.ds(g * 16, 16)], sem.at[0])
        return 0

    lax.fori_loop(0, k16, fire, 0)

    def drain(g, _):
        pltpu.make_async_copy(
            a_hbm.at[pl.ds(0, 16)], rows.at[0, pl.ds(0, 16)], sem.at[0]).wait()
        return 0

    lax.fori_loop(0, k16, drain, 0)

    def mtail(g, _):
        dvec = mdst[pl.ds(g * 16, 16)]
        dvec = jnp.minimum(jnp.maximum(dvec, 0), DUMP)
        for l in range(16):
            d = dvec[l]
            acc[d, :] = jnp.maximum(
                acc[d, :], rows[0, g * 16 + l, pl.ds(0, H)])
        return 0

    lax.fori_loop(0, k16, mtail, 0)

    pltpu.sync_copy(acc.at[pl.ds(0, NPT)], out_hbm.at[pl.ds(lo, NPT)])


_sc_segmax = functools.partial(
    pl.kernel,
    out_type=jax.ShapeDtypeStruct((NPAD, H), jnp.float32),
    mesh=plsc.VectorSubcoreMesh(core_axis_name="c", subcore_axis_name="s",
                                num_cores=2, num_subcores=16),
    compiler_params=pltpu.CompilerParams(needs_layout_passes=False),
    scratch_types=[
        pltpu.VMEM((ACCR, H), jnp.float32),
        pltpu.VMEM((2, C), jnp.int32),
        pltpu.VMEM((2, C), jnp.int32),
        pltpu.VMEM((LCAP,), jnp.int32),
        pltpu.VMEM((LCAP,), jnp.int32),
        pltpu.VMEM((2, BSZ, D), jnp.float32),
        pltpu.SemaphoreType.DMA((2,)),
        pltpu.SemaphoreType.DMA,
    ],
)(_sc_segmax_body)


def _mm_relu_kernel(x_ref, w_ref, b_ref, o_ref):
    o_ref[...] = jnp.maximum(
        jnp.dot(x_ref[...], w_ref[...], preferred_element_type=jnp.float32)
        + b_ref[...], 0.0)


def _mm_relu(x, w, b, bn):
    m, k = x.shape
    n = w.shape[1]
    return pl.pallas_call(
        _mm_relu_kernel,
        grid=(m // bn,),
        in_specs=[
            pl.BlockSpec((bn, k), lambda i: (i, 0)),
            pl.BlockSpec((k, n), lambda i: (0, 0)),
            pl.BlockSpec((1, n), lambda i: (0, 0)),
        ],
        out_specs=pl.BlockSpec((bn, n), lambda i: (i, 0)),
        out_shape=jax.ShapeDtypeStruct((m, n), jnp.float32),
    )(x, w, b)


def _final_kernel(h_ref, agg_ref, w_ref, b_ref, o_ref):
    neighs = jnp.maximum(
        jnp.dot(agg_ref[...], w_ref[...], preferred_element_type=jnp.float32)
        + b_ref[...], 0.0)
    act = jnp.concatenate([h_ref[...], neighs], axis=-1)
    inv = lax.rsqrt(
        jnp.maximum(jnp.sum(act * act, axis=-1, keepdims=True), 1e-12))
    o_ref[...] = act * inv


def _final(h, agg, w, b, bn):
    return pl.pallas_call(
        _final_kernel,
        grid=(N // bn,),
        in_specs=[
            pl.BlockSpec((bn, OUT), lambda i: (i, 0)),
            pl.BlockSpec((bn, H), lambda i: (i, 0)),
            pl.BlockSpec((H, OUT), lambda i: (0, 0)),
            pl.BlockSpec((1, OUT), lambda i: (0, 0)),
        ],
        out_specs=pl.BlockSpec((bn, 2 * OUT), lambda i: (i, 0)),
        out_shape=jax.ShapeDtypeStruct((N, 2 * OUT), jnp.float32),
    )(h, agg, w, b)


@jax.jit
def kernel(x, edge_index, W_node, b_node, W_agg, b_agg, W_neigh, b_neigh):
    wa_pad = jnp.zeros((D, D), jnp.float32).at[:, :H].set(W_agg)
    ba_pad = jnp.zeros((1, D), jnp.float32).at[:, :H].set(b_agg.reshape(1, H))
    a128 = _mm_relu(x, wa_pad, ba_pad, 2000)
    agg_pad = _sc_segmax(a128, edge_index[0], edge_index[1])
    h = _mm_relu(x, W_node, b_node.reshape(1, OUT), 2000)
    out = _final(h, agg_pad[:N], W_neigh, b_neigh.reshape(1, OUT), 2000)
    return out

# --- scband reference (transcript-rebuilt; emitter-appended) ---
"""Pipeline reference for scband-max-pool-35304631174310 (READ-ONLY COPY).

The authoritative reference and input builder live on the scoring server;
editing this copy changes nothing except your own understanding.
"""

import jax, jax.numpy as jnp
import numpy as np

N = 10000
E = 320000
D = 128
H = 16
OUT = 128


def setup_inputs(seed: int = 0) -> dict:
    key = jax.random.key(seed)
    ks = jax.random.split(key, 8)
    x = jax.random.normal(ks[0], (N, D), dtype=jnp.float32)
    edge_index = jax.random.randint(ks[1], (2, E), 0, N, dtype=jnp.int32)
    # Learned parameters (keras Dense layers): node_layer, agg_layer, neighbour_layer
    W_node = jax.random.normal(ks[2], (D, OUT), dtype=jnp.float32) * (1.0 / np.sqrt(D))
    b_node = jnp.zeros((OUT,), dtype=jnp.float32)
    W_agg = jax.random.normal(ks[3], (D, H), dtype=jnp.float32) * (1.0 / np.sqrt(D))
    b_agg = jnp.zeros((H,), dtype=jnp.float32)
    W_neigh = jax.random.normal(ks[4], (H, OUT), dtype=jnp.float32) * (1.0 / np.sqrt(H))
    b_neigh = jnp.zeros((OUT,), dtype=jnp.float32)
    return {
        "x": x,
        "edge_index": edge_index,
        "W_node": W_node,
        "b_node": b_node,
        "W_agg": W_agg,
        "b_agg": b_agg,
        "W_neigh": W_neigh,
        "b_neigh": b_neigh,
    }


def reference(x, edge_index, W_node, b_node, W_agg, b_agg, W_neigh, b_neigh):
    # Faithful translation of MaxPool.call(..., mode='no_sampling') (inference: dropout layer
    # is defined but never applied in this code path).
    relu = jax.nn.relu
    # h = self.node_layer(graph.ndata['h'])
    h = relu(x @ W_node + b_node)
    # graph.ndata['h'] = self.agg_layer(graph.ndata['h'])
    a = relu(x @ W_agg + b_agg)
    # update_all: message = src['h']; reduce = max over mailbox -> segment-max by dst node
    src = edge_index[0]
    dst = edge_index[1]
    msgs = jnp.take(a, src, axis=0)  # gather [E, H]
    agg = jax.ops.segment_max(msgs, dst, num_segments=N)  # scatter-max [N, H]
    # nodes with no in-edges get -inf from segment_max; DGL leaves them as zeros
    agg = jnp.where(jnp.isfinite(agg), agg, 0.0)
    # neighs = self.neighbour_layer(graph.ndata['agg'])
    neighs = relu(agg @ W_neigh + b_neigh)
    # new_h = tf.concat([h, neighs], -1)
    new_h = jnp.concatenate([h, neighs], axis=-1)
    # return tf.math.l2_normalize(self.act(new_h), axis=-1)
    act = relu(new_h)
    inv_norm = jax.lax.rsqrt(jnp.maximum(jnp.sum(act * act, axis=-1, keepdims=True), 1e-12))
    return act * inv_norm

if __name__ == "__main__":
    import jax
    _d = setup_inputs()
    print(jax.jit(kernel)(*tuple(_d.values())))

</pallas_src>

<mosaic_0001>
#map = affine_map<(d0, d1) -> (0, 0)>
#map1 = affine_map<(d0, d1) -> (0)>
module attributes {stable_mosaic.version = 14 : i64} {
  func.func @_sc_segmax_body(%arg0: i32, %arg1: i32, %arg2: memref<10000x128xf32, #tpu.memory_space<hbm>>, %arg3: memref<320000xi32, #tpu.memory_space<hbm>>, %arg4: memref<320000xi32, #tpu.memory_space<hbm>>, %arg5: memref<10240x16xf32, #tpu.memory_space<hbm>>, %arg6: memref<336x16xf32, #tpu.memory_space<vmem>>, %arg7: memref<2x3200xi32, #tpu.memory_space<vmem>>, %arg8: memref<2x3200xi32, #tpu.memory_space<vmem>>, %arg9: memref<3360xi32, #tpu.memory_space<vmem>>, %arg10: memref<3360xi32, #tpu.memory_space<vmem>>, %arg11: memref<2x128x128xf32, #tpu.memory_space<vmem>>, %arg12: memref<2x!tpu.dma_semaphore, #tpu.memory_space<semaphore_mem>>, %arg13: memref<!tpu.dma_semaphore, #tpu.memory_space<semaphore_mem>>) attributes {dimension_semantics = [#tpu.dimension_semantics<core_parallel>, #tpu.dimension_semantics<subcore_parallel>], iteration_bounds = array<i64: 2, 16>, scalar_prefetch = 0 : i64, scratch_operands = 8 : i64, tpu.core_type = #tpu.core_type<sc_vector_subcore>, window_params = [{transform_indices = #map}, {transform_indices = #map1}, {transform_indices = #map1}, {transform_indices = #map}]} {
    %mul3A = arith.constant 2 : i32
    %mul3A_0 = arith.muli %arg1, %mul3A : i32
    %add3A = arith.addi %mul3A_0, %arg0 : i32
    %mul3A_1 = arith.constant 320 : i32
    %mul3A_2 = arith.muli %add3A, %mul3A_1 : i32
    %scan3A = arith.constant 0 : i32
    %scan3A_3 = arith.constant 0 : i32
    %scan3A_4 = arith.constant 336 : i32
    %scan3A_5 = arith.addi %scan3A_3, %scan3A_4 : i32
    %scan3A_6 = arith.constant 1 : i32
    %scan3A_7 = scf.for %scan3A_96 = %scan3A_3 to %scan3A_5 step %scan3A_6 iter_args(%scan3A_97 = %scan3A) -> (i32)  : i32 {
      %broadcast_in_dim3A_98 = arith.constant 0.000000e+00 : f32
      %broadcast_in_dim3A_99 = vector.broadcast %broadcast_in_dim3A_98 : f32 to vector<16xf32>
      %swap3A_100 = arith.index_cast %scan3A_96 : i32 to index
      %swap3A_101 = arith.constant 0 : index
      %swap3A_102 = tpu.vector_load %arg6[%swap3A_100, %swap3A_101] {strides = array<i32>} : memref<336x16xf32, #tpu.memory_space<vmem>>, vector<16xf32>,
      tpu.vector_store %arg6[%swap3A_100, %swap3A_101], %broadcast_in_dim3A_99 {strides = array<i32>} : memref<336x16xf32, #tpu.memory_space<vmem>>, vector<16xf32>,
      %scan3A_103 = arith.constant 0 : i32
      scf.yield %scan3A_103 : i32
    }
    %scan3A_8 = arith.constant 336 : i32
    %dma_start3A = arith.constant 0 : i32
    %dma_start3A_9 = arith.constant 0 : i32
    %dma_start3A_10 = tpu.memref_slice %arg7[%dma_start3A, %dma_start3A_9] : memref<2x3200xi32, #tpu.memory_space<vmem>> -> memref<1x3200xi32, #tpu.memory_space<vmem>>
    %dma_start3A_11 = tpu.memref_squeeze %dma_start3A_10 : memref<1x3200xi32, #tpu.memory_space<vmem>> -> memref<3200xi32, #tpu.memory_space<vmem>>
    %dma_start3A_12 = arith.constant 0 : i32
    %dma_start3A_13 = tpu.memref_slice %arg3[%dma_start3A_12] : memref<320000xi32, #tpu.memory_space<hbm>> -> memref<3200xi32, #tpu.memory_space<hbm>>
    %dma_start3A_14 = arith.constant 0 : i32
    %dma_start3A_15 = tpu.memref_slice %arg7[%dma_start3A, %dma_start3A_14] : memref<2x3200xi32, #tpu.memory_space<vmem>> -> memref<1x3200xi32, #tpu.memory_space<vmem>>
    %dma_start3A_16 = tpu.memref_squeeze %dma_start3A_15 : memref<1x3200xi32, #tpu.memory_space<vmem>> -> memref<3200xi32, #tpu.memory_space<vmem>>
    %dma_start3A_17 = arith.constant 0 : i32
    %dma_start3A_18 = tpu.memref_slice %arg3[%dma_start3A_17] : memref<320000xi32, #tpu.memory_space<hbm>> -> memref<3200xi32, #tpu.memory_space<hbm>>
    tpu.enqueue_dma source(%dma_start3A_18 : memref<3200xi32, #tpu.memory_space<hbm>>) target(%dma_start3A_16 : memref<3200xi32, #tpu.memory_space<vmem>>) target_semaphore(%arg13 : memref<!tpu.dma_semaphore, #tpu.memory_space<semaphore_mem>>)
    %dma_start3A_19 = arith.constant 0 : i32
    %dma_start3A_20 = arith.constant 0 : i32
    %dma_start3A_21 = tpu.memref_slice %arg8[%dma_start3A_19, %dma_start3A_20] : memref<2x3200xi32, #tpu.memory_space<vmem>> -> memref<1x3200xi32, #tpu.memory_space<vmem>>
    %dma_start3A_22 = tpu.memref_squeeze %dma_start3A_21 : memref<1x3200xi32, #tpu.memory_space<vmem>> -> memref<3200xi32, #tpu.memory_space<vmem>>
    %dma_start3A_23 = arith.constant 0 : i32
    %dma_start3A_24 = tpu.memref_slice %arg4[%dma_start3A_23] : memref<320000xi32, #tpu.memory_space<hbm>> -> memref<3200xi32, #tpu.memory_space<hbm>>
    %dma_start3A_25 = arith.constant 0 : i32
    %dma_start3A_26 = tpu.memref_slice %arg8[%dma_start3A_19, %dma_start3A_25] : memref<2x3200xi32, #tpu.memory_space<vmem>> -> memref<1x3200xi32, #tpu.memory_space<vmem>>
    %dma_start3A_27 = tpu.memref_squeeze %dma_start3A_26 : memref<1x3200xi32, #tpu.memory_space<vmem>> -> memref<3200xi32, #tpu.memory_space<vmem>>
    %dma_start3A_28 = arith.constant 0 : i32
    %dma_start3A_29 = tpu.memref_slice %arg4[%dma_start3A_28] : memref<320000xi32, #tpu.memory_space<hbm>> -> memref<3200xi32, #tpu.memory_space<hbm>>
    tpu.enqueue_dma source(%dma_start3A_29 : memref<3200xi32, #tpu.memory_space<hbm>>) target(%dma_start3A_27 : memref<3200xi32, #tpu.memory_space<vmem>>) target_semaphore(%arg13 : memref<!tpu.dma_semaphore, #tpu.memory_space<semaphore_mem>>)
    %scan3A_30 = arith.constant 0 : i32
    %scan3A_31 = arith.constant 0 : i32
    %scan3A_32 = arith.constant 100 : i32
    %scan3A_33 = arith.addi %scan3A_31, %scan3A_32 : i32
    %scan3A_34 = arith.constant 1 : i32
    %scan3A_35 = scf.for %scan3A_96 = %scan3A_31 to %scan3A_33 step %scan3A_34 iter_args(%scan3A_97 = %scan3A_30) -> (i32)  : i32 {
      %jit3A_98 = arith.constant 2 : i32
      %eq3A = arith.constant 0 : i32
      %eq3A_99 = arith.cmpi eq, %jit3A_98, %eq3A : i32
      %jit3A_100 = arith.constant 1 : i32
      %select_n3A_101 = arith.select %eq3A_99, %jit3A_100, %jit3A_98 : i32
      %rem3A_102 = arith.remsi %scan3A_96, %select_n3A_101 : i32
      %ne3A_103 = arith.constant 0 : i32
      %ne3A_104 = arith.cmpi ne, %rem3A_102, %ne3A_103 : i32
      %lt3A = arith.constant 0 : i32
      %lt3A_105 = arith.cmpi slt, %rem3A_102, %lt3A : i32
      %lt3A_106 = arith.constant 0 : i32
      %lt3A_107 = arith.cmpi slt, %select_n3A_101, %lt3A_106 : i32
      %ne3A_108 = arith.xori %lt3A_105, %lt3A_107 : i1
      %and3A_109 = arith.andi %ne3A_108, %ne3A_104 : i1
      %add3A_110 = arith.addi %rem3A_102, %select_n3A_101 : i32
      %select_n3A_111 = arith.select %and3A_109, %add3A_110, %rem3A_102 : i32
      %dma_wait3A = arith.constant 0 : i32
      %dma_wait3A_112 = arith.constant 0 : i32
      %dma_wait3A_113 = tpu.memref_slice %arg7[%dma_wait3A, %dma_wait3A_112] : memref<2x3200xi32, #tpu.memory_space<vmem>> -> memref<1x3200xi32, #tpu.memory_space<vmem>>
      %dma_wait3A_114 = tpu.memref_squeeze %dma_wait3A_113 : memref<1x3200xi32, #tpu.memory_space<vmem>> -> memref<3200xi32, #tpu.memory_space<vmem>>
      %dma_wait3A_115 = arith.constant 0 : i32
      %dma_wait3A_116 = tpu.memref_slice %arg3[%dma_wait3A_115] : memref<320000xi32, #tpu.memory_space<hbm>> -> memref<3200xi32, #tpu.memory_space<hbm>>
      %dma_wait3A_117 = arith.constant 0 : i32
      %dma_wait3A_118 = tpu.memref_slice %arg7[%dma_wait3A, %dma_wait3A_117] : memref<2x3200xi32, #tpu.memory_space<vmem>> -> memref<1x3200xi32, #tpu.memory_space<vmem>>
      %dma_wait3A_119 = tpu.memref_squeeze %dma_wait3A_118 : memref<1x3200xi32, #tpu.memory_space<vmem>> -> memref<3200xi32, #tpu.memory_space<vmem>>
      %dma_wait3A_120 = arith.constant 0 : i32
      %dma_wait3A_121 = tpu.memref_slice %arg3[%dma_wait3A_120] : memref<320000xi32, #tpu.memory_space<hbm>> -> memref<3200xi32, #tpu.memory_space<hbm>>
      tpu.wait_dma2 semaphore(%arg13 : memref<!tpu.dma_semaphore, #tpu.memory_space<semaphore_mem>>) src(%dma_wait3A_121 : memref<3200xi32, #tpu.memory_space<hbm>>) dst(%dma_wait3A_119 : memref<3200xi32, #tpu.memory_space<vmem>>)
      %dma_wait3A_122 = arith.constant 0 : i32
      %dma_wait3A_123 = arith.constant 0 : i32
      %dma_wait3A_124 = tpu.memref_slice %arg7[%dma_wait3A_122, %dma_wait3A_123] : memref<2x3200xi32, #tpu.memory_space<vmem>> -> memref<1x3200xi32, #tpu.memory_space<vmem>>
      %dma_wait3A_125 = tpu.memref_squeeze %dma_wait3A_124 : memref<1x3200xi32, #tpu.memory_space<vmem>> -> memref<3200xi32, #tpu.memory_space<vmem>>
      %dma_wait3A_126 = arith.constant 0 : i32
      %dma_wait3A_127 = tpu.memref_slice %arg3[%dma_wait3A_126] : memref<320000xi32, #tpu.memory_space<hbm>> -> memref<3200xi32, #tpu.memory_space<hbm>>
      %dma_wait3A_128 = arith.constant 0 : i32
      %dma_wait3A_129 = tpu.memref_slice %arg7[%dma_wait3A_122, %dma_wait3A_128] : memref<2x3200xi32, #tpu.memory_space<vmem>> -> memref<1x3200xi32, #tpu.memory_space<vmem>>
      %dma_wait3A_130 = tpu.memref_squeeze %dma_wait3A_129 : memref<1x3200xi32, #tpu.memory_space<vmem>> -> memref<3200xi32, #tpu.memory_space<vmem>>
      %dma_wait3A_131 = arith.constant 0 : i32
      %dma_wait3A_132 = tpu.memref_slice %arg3[%dma_wait3A_131] : memref<320000xi32, #tpu.memory_space<hbm>> -> memref<3200xi32, #tpu.memory_space<hbm>>
      tpu.wait_dma2 semaphore(%arg13 : memref<!tpu.dma_semaphore, #tpu.memory_space<semaphore_mem>>) src(%dma_wait3A_132 : memref<3200xi32, #tpu.memory_space<hbm>>) dst(%dma_wait3A_130 : memref<3200xi32, #tpu.memory_space<vmem>>)
      %add3A_133 = arith.constant 1 : i32
      %add3A_134 = arith.addi %scan3A_96, %add3A_133 : i32
      %lt3A_135 = arith.constant 100 : i32
      %lt3A_136 = arith.cmpi slt, %add3A_134, %lt3A_135 : i32
      %convert_element_type3A = arith.extui %lt3A_136 : i1 to i32
      %cond3A = arith.constant 0 : i32
      %cond3A_137 = arith.cmpi ne, %convert_element_type3A, %cond3A : i32
      scf.if %cond3A_137 {
        %add3A_158 = arith.constant 1 : i32
        %add3A_159 = arith.addi %scan3A_96, %add3A_158 : i32
        %mul3A_160 = arith.constant 3200 : i32
        %mul3A_161 = arith.muli %add3A_159, %mul3A_160 : i32
        %sub3A_162 = arith.constant 1 : i32
        %sub3A_163 = arith.subi %sub3A_162, %select_n3A_111 : i32
        %dma_start3A_164 = arith.constant 0 : i32
        %dma_start3A_165 = tpu.memref_slice %arg7[%sub3A_163, %dma_start3A_164] : memref<2x3200xi32, #tpu.memory_space<vmem>> -> memref<1x3200xi32, #tpu.memory_space<vmem>>
        %dma_start3A_166 = tpu.memref_squeeze %dma_start3A_165 : memref<1x3200xi32, #tpu.memory_space<vmem>> -> memref<3200xi32, #tpu.memory_space<vmem>>
        %dma_start3A_167 = tpu.memref_slice %arg3[%mul3A_161] : memref<320000xi32, #tpu.memory_space<hbm>> -> memref<3200xi32, #tpu.memory_space<hbm>>
        %dma_start3A_168 = arith.constant 0 : i32
        %dma_start3A_169 = tpu.memref_slice %arg7[%sub3A_163, %dma_start3A_168] : memref<2x3200xi32, #tpu.memory_space<vmem>> -> memref<1x3200xi32, #tpu.memory_space<vmem>>
        %dma_start3A_170 = tpu.memref_squeeze %dma_start3A_169 : memref<1x3200xi32, #tpu.memory_space<vmem>> -> memref<3200xi32, #tpu.memory_space<vmem>>
        %dma_start3A_171 = tpu.memref_slice %arg3[%mul3A_161] : memref<320000xi32, #tpu.memory_space<hbm>> -> memref<3200xi32, #tpu.memory_space<hbm>>
        tpu.enqueue_dma source(%dma_start3A_171 : memref<3200xi32, #tpu.memory_space<hbm>>) target(%dma_start3A_170 : memref<3200xi32, #tpu.memory_space<vmem>>) target_semaphore(%arg13 : memref<!tpu.dma_semaphore, #tpu.memory_space<semaphore_mem>>)
        %sub3A_172 = arith.constant 1 : i32
        %sub3A_173 = arith.subi %sub3A_172, %select_n3A_111 : i32
        %dma_start3A_174 = arith.constant 0 : i32
        %dma_start3A_175 = tpu.memref_slice %arg8[%sub3A_173, %dma_start3A_174] : memref<2x3200xi32, #tpu.memory_space<vmem>> -> memref<1x3200xi32, #tpu.memory_space<vmem>>
        %dma_start3A_176 = tpu.memref_squeeze %dma_start3A_175 : memref<1x3200xi32, #tpu.memory_space<vmem>> -> memref<3200xi32, #tpu.memory_space<vmem>>
        %dma_start3A_177 = tpu.memref_slice %arg4[%mul3A_161] : memref<320000xi32, #tpu.memory_space<hbm>> -> memref<3200xi32, #tpu.memory_space<hbm>>
        %dma_start3A_178 = arith.constant 0 : i32
        %dma_start3A_179 = tpu.memref_slice %arg8[%sub3A_173, %dma_start3A_178] : memref<2x3200xi32, #tpu.memory_space<vmem>> -> memref<1x3200xi32, #tpu.memory_space<vmem>>
        %dma_start3A_180 = tpu.memref_squeeze %dma_start3A_179 : memref<1x3200xi32, #tpu.memory_space<vmem>> -> memref<3200xi32, #tpu.memory_space<vmem>>
        %dma_start3A_181 = tpu.memref_slice %arg4[%mul3A_161] : memref<320000xi32, #tpu.memory_space<hbm>> -> memref<3200xi32, #tpu.memory_space<hbm>>
        tpu.enqueue_dma source(%dma_start3A_181 : memref<3200xi32, #tpu.memory_space<hbm>>) target(%dma_start3A_180 : memref<3200xi32, #tpu.memory_space<vmem>>) target_semaphore(%arg13 : memref<!tpu.dma_semaphore, #tpu.memory_space<semaphore_mem>>)
      } else {
      }
      %scan3A_138 = arith.constant 0 : i32
      %scan3A_139 = arith.constant 50 : i32
      %scan3A_140 = arith.addi %scan3A_138, %scan3A_139 : i32
      %scan3A_141 = arith.constant 1 : i32
      %scan3A_142 = scf.for %scan3A_158 = %scan3A_138 to %scan3A_140 step %scan3A_141 iter_args(%scan3A_159 = %scan3A_97) -> (i32)  : i32 {
        %mul3A_160 = arith.constant 4 : i32
        %mul3A_161 = arith.muli %scan3A_158, %mul3A_160 : i32
        %add3A_162 = arith.constant 0 : i32
        %add3A_163 = arith.addi %mul3A_161, %add3A_162 : i32
        %mul3A_164 = arith.constant 16 : i32
        %mul3A_165 = arith.muli %add3A_163, %mul3A_164 : i32
        %get3A = arith.index_cast %select_n3A_111 : i32 to index
        %get3A_166 = arith.index_cast %mul3A_165 : i32 to index
        %get3A_167 = tpu.vector_load %arg8[%get3A, %get3A_166] {strides = array<i32>} : memref<2x3200xi32, #tpu.memory_space<vmem>>, vector<16xi32>,
        %mul3A_168 = arith.constant 4 : i32
        %mul3A_169 = arith.muli %scan3A_158, %mul3A_168 : i32
        %add3A_170 = arith.constant 0 : i32
        %add3A_171 = arith.addi %mul3A_169, %add3A_170 : i32
        %mul3A_172 = arith.constant 16 : i32
        %mul3A_173 = arith.muli %add3A_171, %mul3A_172 : i32
        %get3A_174 = arith.index_cast %select_n3A_111 : i32 to index
        %get3A_175 = arith.index_cast %mul3A_173 : i32 to index
        %get3A_176 = tpu.vector_load %arg7[%get3A_174, %get3A_175] {strides = array<i32>} : memref<2x3200xi32, #tpu.memory_space<vmem>>, vector<16xi32>,
        %sub3A_177 = vector.broadcast %mul3A_2 : i32 to vector<16xi32>
        %sub3A_178 = arith.subi %get3A_167, %sub3A_177 : vector<16xi32>
        %shift_right_logical3A = arith.constant 31 : i32
        %shift_right_logical3A_179 = vector.broadcast %shift_right_logical3A : i32 to vector<16xi32>
        %shift_right_logical3A_180 = arith.shrui %sub3A_178, %shift_right_logical3A_179 : vector<16xi32>
        %sub3A_181 = arith.constant 1 : i32
        %sub3A_182 = vector.broadcast %sub3A_181 : i32 to vector<16xi32>
        %sub3A_183 = arith.subi %sub3A_182, %shift_right_logical3A_180 : vector<16xi32>
        %add3A_184 = arith.constant 320 : i32
        %add3A_185 = arith.addi %mul3A_2, %add3A_184 : i32
        %sub3A_186 = vector.broadcast %add3A_185 : i32 to vector<16xi32>
        %sub3A_187 = arith.subi %get3A_167, %sub3A_186 : vector<16xi32>
        %shift_right_logical3A_188 = arith.constant 31 : i32
        %shift_right_logical3A_189 = vector.broadcast %shift_right_logical3A_188 : i32 to vector<16xi32>
        %shift_right_logical3A_190 = arith.shrui %sub3A_187, %shift_right_logical3A_189 : vector<16xi32>
        %mul3A_191 = arith.muli %sub3A_183, %shift_right_logical3A_190 : vector<16xi32>
        %broadcast_in_dim3A_192 = arith.constant true
        %broadcast_in_dim3A_193 = vector.broadcast %broadcast_in_dim3A_192 : i1 to vector<16xi1>
        %masked_cumsum3A = tpu.scan <sum>, %mul3A_191 masked %broadcast_in_dim3A_193 : vector<16xi32>, vector<16xi1> -> vector<16xi32>
        %add3A_194 = vector.broadcast %scan3A_159 : i32 to vector<16xi32>
        %add3A_195 = arith.addi %add3A_194, %masked_cumsum3A : vector<16xi32>
        %sub3A_196 = arith.constant 1 : i32
        %sub3A_197 = vector.broadcast %sub3A_196 : i32 to vector<16xi32>
        %sub3A_198 = arith.subi %add3A_195, %sub3A_197 : vector<16xi32>
        %mul3A_199 = arith.muli %sub3A_198, %mul3A_191 : vector<16xi32>
        %sub3A_200 = arith.constant 1 : i32
        %sub3A_201 = vector.broadcast %sub3A_200 : i32 to vector<16xi32>
        %sub3A_202 = arith.subi %sub3A_201, %mul3A_191 : vector<16xi32>
        %mul3A_203 = arith.constant 3359 : i32
        %mul3A_204 = vector.broadcast %mul3A_203 : i32 to vector<16xi32>
        %mul3A_205 = arith.muli %mul3A_204, %sub3A_202 : vector<16xi32>
        %add3A_206 = arith.addi %mul3A_199, %mul3A_205 : vector<16xi32>
        %sub3A_207 = vector.broadcast %mul3A_2 : i32 to vector<16xi32>
        %sub3A_208 = arith.subi %get3A_167, %sub3A_207 : vector<16xi32>
        tpu.vector_store_idx %arg10[%add3A_206], %sub3A_208 : memref<3360xi32, #tpu.memory_space<vmem>>[vector<16xi32>], vector<16xi32>,
        tpu.vector_store_idx %arg9[%add3A_206], %get3A_176 : memref<3360xi32, #tpu.memory_space<vmem>>[vector<16xi32>], vector<16xi32>,
        %reduce_sum3A = arith.constant true
        %reduce_sum3A_209 = vector.broadcast %reduce_sum3A : i1 to vector<16xi1>
        %reduce_sum3A_210 = tpu.scan <sum>, %mul3A_191 masked %reduce_sum3A_209 : vector<16xi32>, vector<16xi1> -> vector<16xi32>
        %reduce_sum3A_211 = vector.extract %reduce_sum3A_210[15] : i32 from vector<16xi32>
        %add3A_212 = arith.addi %scan3A_159, %reduce_sum3A_211 : i32
        %mul3A_213 = arith.constant 4 : i32
        %mul3A_214 = arith.muli %scan3A_158, %mul3A_213 : i32
        %add3A_215 = arith.constant 1 : i32
        %add3A_216 = arith.addi %mul3A_214, %add3A_215 : i32
        %mul3A_217 = arith.constant 16 : i32
        %mul3A_218 = arith.muli %add3A_216, %mul3A_217 : i32
        %get3A_219 = arith.index_cast %select_n3A_111 : i32 to index
        %get3A_220 = arith.index_cast %mul3A_218 : i32 to index
        %get3A_221 = tpu.vector_load %arg8[%get3A_219, %get3A_220] {strides = array<i32>} : memref<2x3200xi32, #tpu.memory_space<vmem>>, vector<16xi32>,
        %mul3A_222 = arith.constant 4 : i32
        %mul3A_223 = arith.muli %scan3A_158, %mul3A_222 : i32
        %add3A_224 = arith.constant 1 : i32
        %add3A_225 = arith.addi %mul3A_223, %add3A_224 : i32
        %mul3A_226 = arith.constant 16 : i32
        %mul3A_227 = arith.muli %add3A_225, %mul3A_226 : i32
        %get3A_228 = arith.index_cast %select_n3A_111 : i32 to index
        %get3A_229 = arith.index_cast %mul3A_227 : i32 to index
        %get3A_230 = tpu.vector_load %arg7[%get3A_228, %get3A_229] {strides = array<i32>} : memref<2x3200xi32, #tpu.memory_space<vmem>>, vector<16xi32>,
        %sub3A_231 = vector.broadcast %mul3A_2 : i32 to vector<16xi32>
        %sub3A_232 = arith.subi %get3A_221, %sub3A_231 : vector<16xi32>
        %shift_right_logical3A_233 = arith.constant 31 : i32
        %shift_right_logical3A_234 = vector.broadcast %shift_right_logical3A_233 : i32 to vector<16xi32>
        %shift_right_logical3A_235 = arith.shrui %sub3A_232, %shift_right_logical3A_234 : vector<16xi32>
        %sub3A_236 = arith.constant 1 : i32
        %sub3A_237 = vector.broadcast %sub3A_236 : i32 to vector<16xi32>
        %sub3A_238 = arith.subi %sub3A_237, %shift_right_logical3A_235 : vector<16xi32>
        %add3A_239 = arith.constant 320 : i32
        %add3A_240 = arith.addi %mul3A_2, %add3A_239 : i32
        %sub3A_241 = vector.broadcast %add3A_240 : i32 to vector<16xi32>
        %sub3A_242 = arith.subi %get3A_221, %sub3A_241 : vector<16xi32>
        %shift_right_logical3A_243 = arith.constant 31 : i32
        %shift_right_logical3A_244 = vector.broadcast %shift_right_logical3A_243 : i32 to vector<16xi32>
        %shift_right_logical3A_245 = arith.shrui %sub3A_242, %shift_right_logical3A_244 : vector<16xi32>
        %mul3A_246 = arith.muli %sub3A_238, %shift_right_logical3A_245 : vector<16xi32>
        %broadcast_in_dim3A_247 = arith.constant true
        %broadcast_in_dim3A_248 = vector.broadcast %broadcast_in_dim3A_247 : i1 to vector<16xi1>
        %masked_cumsum3A_249 = tpu.scan <sum>, %mul3A_246 masked %broadcast_in_dim3A_248 : vector<16xi32>, vector<16xi1> -> vector<16xi32>
        %add3A_250 = vector.broadcast %add3A_212 : i32 to vector<16xi32>
        %add3A_251 = arith.addi %add3A_250, %masked_cumsum3A_249 : vector<16xi32>
        %sub3A_252 = arith.constant 1 : i32
        %sub3A_253 = vector.broadcast %sub3A_252 : i32 to vector<16xi32>
        %sub3A_254 = arith.subi %add3A_251, %sub3A_253 : vector<16xi32>
        %mul3A_255 = arith.muli %sub3A_254, %mul3A_246 : vector<16xi32>
        %sub3A_256 = arith.constant 1 : i32
        %sub3A_257 = vector.broadcast %sub3A_256 : i32 to vector<16xi32>
        %sub3A_258 = arith.subi %sub3A_257, %mul3A_246 : vector<16xi32>
        %mul3A_259 = arith.constant 3359 : i32
        %mul3A_260 = vector.broadcast %mul3A_259 : i32 to vector<16xi32>
        %mul3A_261 = arith.muli %mul3A_260, %sub3A_258 : vector<16xi32>
        %add3A_262 = arith.addi %mul3A_255, %mul3A_261 : vector<16xi32>
        %sub3A_263 = vector.broadcast %mul3A_2 : i32 to vector<16xi32>
        %sub3A_264 = arith.subi %get3A_221, %sub3A_263 : vector<16xi32>
        tpu.vector_store_idx %arg10[%add3A_262], %sub3A_264 : memref<3360xi32, #tpu.memory_space<vmem>>[vector<16xi32>], vector<16xi32>,
        tpu.vector_store_idx %arg9[%add3A_262], %get3A_230 : memref<3360xi32, #tpu.memory_space<vmem>>[vector<16xi32>], vector<16xi32>,
        %reduce_sum3A_265 = arith.constant true
        %reduce_sum3A_266 = vector.broadcast %reduce_sum3A_265 : i1 to vector<16xi1>
        %reduce_sum3A_267 = tpu.scan <sum>, %mul3A_246 masked %reduce_sum3A_266 : vector<16xi32>, vector<16xi1> -> vector<16xi32>
        %reduce_sum3A_268 = vector.extract %reduce_sum3A_267[15] : i32 from vector<16xi32>
        %add3A_269 = arith.addi %add3A_212, %reduce_sum3A_268 : i32
        %mul3A_270 = arith.constant 4 : i32
        %mul3A_271 = arith.muli %scan3A_158, %mul3A_270 : i32
        %add3A_272 = arith.constant 2 : i32
        %add3A_273 = arith.addi %mul3A_271, %add3A_272 : i32
        %mul3A_274 = arith.constant 16 : i32
        %mul3A_275 = arith.muli %add3A_273, %mul3A_274 : i32
        %get3A_276 = arith.index_cast %select_n3A_111 : i32 to index
        %get3A_277 = arith.index_cast %mul3A_275 : i32 to index
        %get3A_278 = tpu.vector_load %arg8[%get3A_276, %get3A_277] {strides = array<i32>} : memref<2x3200xi32, #tpu.memory_space<vmem>>, vector<16xi32>,
        %mul3A_279 = arith.constant 4 : i32
        %mul3A_280 = arith.muli %scan3A_158, %mul3A_279 : i32
        %add3A_281 = arith.constant 2 : i32
        %add3A_282 = arith.addi %mul3A_280, %add3A_281 : i32
        %mul3A_283 = arith.constant 16 : i32
        %mul3A_284 = arith.muli %add3A_282, %mul3A_283 : i32
        %get3A_285 = arith.index_cast %select_n3A_111 : i32 to index
        %get3A_286 = arith.index_cast %mul3A_284 : i32 to index
        %get3A_287 = tpu.vector_load %arg7[%get3A_285, %get3A_286] {strides = array<i32>} : memref<2x3200xi32, #tpu.memory_space<vmem>>, vector<16xi32>,
        %sub3A_288 = vector.broadcast %mul3A_2 : i32 to vector<16xi32>
        %sub3A_289 = arith.subi %get3A_278, %sub3A_288 : vector<16xi32>
        %shift_right_logical3A_290 = arith.constant 31 : i32
        %shift_right_logical3A_291 = vector.broadcast %shift_right_logical3A_290 : i32 to vector<16xi32>
        %shift_right_logical3A_292 = arith.shrui %sub3A_289, %shift_right_logical3A_291 : vector<16xi32>
        %sub3A_293 = arith.constant 1 : i32
        %sub3A_294 = vector.broadcast %sub3A_293 : i32 to vector<16xi32>
        %sub3A_295 = arith.subi %sub3A_294, %shift_right_logical3A_292 : vector<16xi32>
        %add3A_296 = arith.constant 320 : i32
        %add3A_297 = arith.addi %mul3A_2, %add3A_296 : i32
        %sub3A_298 = vector.broadcast %add3A_297 : i32 to vector<16xi32>
        %sub3A_299 = arith.subi %get3A_278, %sub3A_298 : vector<16xi32>
        %shift_right_logical3A_300 = arith.constant 31 : i32
        %shift_right_logical3A_301 = vector.broadcast %shift_right_logical3A_300 : i32 to vector<16xi32>
        %shift_right_logical3A_302 = arith.shrui %sub3A_299, %shift_right_logical3A_301 : vector<16xi32>
        %mul3A_303 = arith.muli %sub3A_295, %shift_right_logical3A_302 : vector<16xi32>
        %broadcast_in_dim3A_304 = arith.constant true
        %broadcast_in_dim3A_305 = vector.broadcast %broadcast_in_dim3A_304 : i1 to vector<16xi1>
        %masked_cumsum3A_306 = tpu.scan <sum>, %mul3A_303 masked %broadcast_in_dim3A_305 : vector<16xi32>, vector<16xi1> -> vector<16xi32>
        %add3A_307 = vector.broadcast %add3A_269 : i32 to vector<16xi32>
        %add3A_308 = arith.addi %add3A_307, %masked_cumsum3A_306 : vector<16xi32>
        %sub3A_309 = arith.constant 1 : i32
        %sub3A_310 = vector.broadcast %sub3A_309 : i32 to vector<16xi32>
        %sub3A_311 = arith.subi %add3A_308, %sub3A_310 : vector<16xi32>
        %mul3A_312 = arith.muli %sub3A_311, %mul3A_303 : vector<16xi32>
        %sub3A_313 = arith.constant 1 : i32
        %sub3A_314 = vector.broadcast %sub3A_313 : i32 to vector<16xi32>
        %sub3A_315 = arith.subi %sub3A_314, %mul3A_303 : vector<16xi32>
        %mul3A_316 = arith.constant 3359 : i32
        %mul3A_317 = vector.broadcast %mul3A_316 : i32 to vector<16xi32>
        %mul3A_318 = arith.muli %mul3A_317, %sub3A_315 : vector<16xi32>
        %add3A_319 = arith.addi %mul3A_312, %mul3A_318 : vector<16xi32>
        %sub3A_320 = vector.broadcast %mul3A_2 : i32 to vector<16xi32>
        %sub3A_321 = arith.subi %get3A_278, %sub3A_320 : vector<16xi32>
        tpu.vector_store_idx %arg10[%add3A_319], %sub3A_321 : memref<3360xi32, #tpu.memory_space<vmem>>[vector<16xi32>], vector<16xi32>,
        tpu.vector_store_idx %arg9[%add3A_319], %get3A_287 : memref<3360xi32, #tpu.memory_space<vmem>>[vector<16xi32>], vector<16xi32>,
        %reduce_sum3A_322 = arith.constant true
        %reduce_sum3A_323 = vector.broadcast %reduce_sum3A_322 : i1 to vector<16xi1>
        %reduce_sum3A_324 = tpu.scan <sum>, %mul3A_303 masked %reduce_sum3A_323 : vector<16xi32>, vector<16xi1> -> vector<16xi32>
        %reduce_sum3A_325 = vector.extract %reduce_sum3A_324[15] : i32 from vector<16xi32>
        %add3A_326 = arith.addi %add3A_269, %reduce_sum3A_325 : i32
        %mul3A_327 = arith.constant 4 : i32
        %mul3A_328 = arith.muli %scan3A_158, %mul3A_327 : i32
        %add3A_329 = arith.constant 3 : i32
        %add3A_330 = arith.addi %mul3A_328, %add3A_329 : i32
        %mul3A_331 = arith.constant 16 : i32
        %mul3A_332 = arith.muli %add3A_330, %mul3A_331 : i32
        %get3A_333 = arith.index_cast %select_n3A_111 : i32 to index
        %get3A_334 = arith.index_cast %mul3A_332 : i32 to index
        %get3A_335 = tpu.vector_load %arg8[%get3A_333, %get3A_334] {strides = array<i32>} : memref<2x3200xi32, #tpu.memory_space<vmem>>, vector<16xi32>,
        %mul3A_336 = arith.constant 4 : i32
        %mul3A_337 = arith.muli %scan3A_158, %mul3A_336 : i32
        %add3A_338 = arith.constant 3 : i32
        %add3A_339 = arith.addi %mul3A_337, %add3A_338 : i32
        %mul3A_340 = arith.constant 16 : i32
        %mul3A_341 = arith.muli %add3A_339, %mul3A_340 : i32
        %get3A_342 = arith.index_cast %select_n3A_111 : i32 to index
        %get3A_343 = arith.index_cast %mul3A_341 : i32 to index
        %get3A_344 = tpu.vector_load %arg7[%get3A_342, %get3A_343] {strides = array<i32>} : memref<2x3200xi32, #tpu.memory_space<vmem>>, vector<16xi32>,
        %sub3A_345 = vector.broadcast %mul3A_2 : i32 to vector<16xi32>
        %sub3A_346 = arith.subi %get3A_335, %sub3A_345 : vector<16xi32>
        %shift_right_logical3A_347 = arith.constant 31 : i32
        %shift_right_logical3A_348 = vector.broadcast %shift_right_logical3A_347 : i32 to vector<16xi32>
        %shift_right_logical3A_349 = arith.shrui %sub3A_346, %shift_right_logical3A_348 : vector<16xi32>
        %sub3A_350 = arith.constant 1 : i32
        %sub3A_351 = vector.broadcast %sub3A_350 : i32 to vector<16xi32>
        %sub3A_352 = arith.subi %sub3A_351, %shift_right_logical3A_349 : vector<16xi32>
        %add3A_353 = arith.constant 320 : i32
        %add3A_354 = arith.addi %mul3A_2, %add3A_353 : i32
        %sub3A_355 = vector.broadcast %add3A_354 : i32 to vector<16xi32>
        %sub3A_356 = arith.subi %get3A_335, %sub3A_355 : vector<16xi32>
        %shift_right_logical3A_357 = arith.constant 31 : i32
        %shift_right_logical3A_358 = vector.broadcast %shift_right_logical3A_357 : i32 to vector<16xi32>
        %shift_right_logical3A_359 = arith.shrui %sub3A_356, %shift_right_logical3A_358 : vector<16xi32>
        %mul3A_360 = arith.muli %sub3A_352, %shift_right_logical3A_359 : vector<16xi32>
        %broadcast_in_dim3A_361 = arith.constant true
        %broadcast_in_dim3A_362 = vector.broadcast %broadcast_in_dim3A_361 : i1 to vector<16xi1>
        %masked_cumsum3A_363 = tpu.scan <sum>, %mul3A_360 masked %broadcast_in_dim3A_362 : vector<16xi32>, vector<16xi1> -> vector<16xi32>
        %add3A_364 = vector.broadcast %add3A_326 : i32 to vector<16xi32>
        %add3A_365 = arith.addi %add3A_364, %masked_cumsum3A_363 : vector<16xi32>
        %sub3A_366 = arith.constant 1 : i32
        %sub3A_367 = vector.broadcast %sub3A_366 : i32 to vector<16xi32>
        %sub3A_368 = arith.subi %add3A_365, %sub3A_367 : vector<16xi32>
        %mul3A_369 = arith.muli %sub3A_368, %mul3A_360 : vector<16xi32>
        %sub3A_370 = arith.constant 1 : i32
        %sub3A_371 = vector.broadcast %sub3A_370 : i32 to vector<16xi32>
        %sub3A_372 = arith.subi %sub3A_371, %mul3A_360 : vector<16xi32>
        %mul3A_373 = arith.constant 3359 : i32
        %mul3A_374 = vector.broadcast %mul3A_373 : i32 to vector<16xi32>
        %mul3A_375 = arith.muli %mul3A_374, %sub3A_372 : vector<16xi32>
        %add3A_376 = arith.addi %mul3A_369, %mul3A_375 : vector<16xi32>
        %sub3A_377 = vector.broadcast %mul3A_2 : i32 to vector<16xi32>
        %sub3A_378 = arith.subi %get3A_335, %sub3A_377 : vector<16xi32>
        tpu.vector_store_idx %arg10[%add3A_376], %sub3A_378 : memref<3360xi32, #tpu.memory_space<vmem>>[vector<16xi32>], vector<16xi32>,
        tpu.vector_store_idx %arg9[%add3A_376], %get3A_344 : memref<3360xi32, #tpu.memory_space<vmem>>[vector<16xi32>], vector<16xi32>,
        %reduce_sum3A_379 = arith.constant true
        %reduce_sum3A_380 = vector.broadcast %reduce_sum3A_379 : i1 to vector<16xi1>
        %reduce_sum3A_381 = tpu.scan <sum>, %mul3A_360 masked %reduce_sum3A_380 : vector<16xi32>, vector<16xi1> -> vector<16xi32>
        %reduce_sum3A_382 = vector.extract %reduce_sum3A_381[15] : i32 from vector<16xi32>
        %add3A_383 = arith.addi %add3A_326, %reduce_sum3A_382 : i32
        scf.yield %add3A_383 : i32
      }
      %scan3A_143 = arith.constant 50 : i32
      %ge3A = arith.constant 128 : i32
      %ge3A_144 = arith.cmpi sge, %scan3A_142, %ge3A : i32
      %convert_element_type3A_145 = arith.extui %ge3A_144 : i1 to i32
      %cond3A_146 = arith.constant 0 : i32
      %cond3A_147 = arith.cmpi ne, %convert_element_type3A_145, %cond3A_146 : i32
      scf.if %cond3A_147 {
        %dma_start3A_158 = arith.constant 0 : i32
        %dma_start3A_159 = arith.constant 0 : i32
        %dma_start3A_160 = arith.constant 0 : i32
        %dma_start3A_161 = arith.constant 0 : i32
        %dma_start3A_162 = tpu.memref_slice %arg11[%dma_start3A_158, %dma_start3A_160, %dma_start3A_161] : memref<2x128x128xf32, #tpu.memory_space<vmem>> -> memref<1x128x128xf32, #tpu.memory_space<vmem>>
        %dma_start3A_163 = tpu.memref_squeeze %dma_start3A_162 : memref<1x128x128xf32, #tpu.memory_space<vmem>> -> memref<128x128xf32, #tpu.memory_space<vmem>>
        %dma_start3A_164 = arith.constant 0 : i32
        %dma_start3A_165 = tpu.memref_slice %arg9[%dma_start3A_164] : memref<3360xi32, #tpu.memory_space<vmem>> -> memref<128xi32, #tpu.memory_space<vmem>>
        %dma_start3A_166 = arith.constant 0 : i32
        %dma_start3A_167 = arith.constant 0 : i32
        %dma_start3A_168 = tpu.memref_slice %arg2[%dma_start3A_166, %dma_start3A_167] : memref<10000x128xf32, #tpu.memory_space<hbm>> -> memref<10000x128xf32, #tpu.memory_space<hbm>>
        %dma_start3A_169 = tpu.memref_slice %arg12[%dma_start3A_159] : memref<2x!tpu.dma_semaphore, #tpu.memory_space<semaphore_mem>> -> memref<1x!tpu.dma_semaphore, #tpu.memory_space<semaphore_mem>>
        %dma_start3A_170 = tpu.memref_squeeze %dma_start3A_169 : memref<1x!tpu.dma_semaphore, #tpu.memory_space<semaphore_mem>> -> memref<!tpu.dma_semaphore, #tpu.memory_space<semaphore_mem>>
        tpu.enqueue_indirect_dma source(%dma_start3A_168 : memref<10000x128xf32, #tpu.memory_space<hbm>>) target(%dma_start3A_163 : memref<128x128xf32, #tpu.memory_space<vmem>>) offsets(%dma_start3A_165 : memref<128xi32, #tpu.memory_space<vmem>>) semaphore(%dma_start3A_170 : memref<!tpu.dma_semaphore, #tpu.memory_space<semaphore_mem>>)
      } else {
      }
      %while3A_148 = arith.constant 0 : i32
      %while3A_149 = scf.while (%while3A_158 = %while3A_148) : (i32) -> i32 {
        %sub3A_159 = arith.subi %scan3A_142, %while3A_158 : i32
        %ge3A_160 = arith.constant 128 : i32
        %ge3A_161 = arith.cmpi sge, %sub3A_159, %ge3A_160 : i32
        scf.condition(%ge3A_161) %while3A_158 : i32
      } do {
      ^bb0(%while3A_158: i32):
        %multiple_of3A = tpu.assume_multiple %while3A_158, 128 : i32
        %jit3A_159 = arith.constant 128 : i32
        %div3A_160 = arith.divsi %multiple_of3A, %jit3A_159 : i32
        %sign3A_161 = arith.constant 0 : i32
        %sign3A_162 = arith.cmpi sgt, %multiple_of3A, %sign3A_161 : i32
        %sign3A_163 = arith.extui %sign3A_162 : i1 to i32
        %sign3A_164 = arith.constant 0 : i32
        %sign3A_165 = arith.cmpi slt, %multiple_of3A, %sign3A_164 : i32
        %sign3A_166 = arith.extui %sign3A_165 : i1 to i32
        %sign3A_167 = arith.subi %sign3A_163, %sign3A_166 : i32
        %sign3A_168 = arith.constant 0 : i32
        %sign3A_169 = arith.cmpi sgt, %jit3A_159, %sign3A_168 : i32
        %sign3A_170 = arith.extui %sign3A_169 : i1 to i32
        %sign3A_171 = arith.constant 0 : i32
        %sign3A_172 = arith.cmpi slt, %jit3A_159, %sign3A_171 : i32
        %sign3A_173 = arith.extui %sign3A_172 : i1 to i32
        %sign3A_174 = arith.subi %sign3A_170, %sign3A_173 : i32
        %ne3A_175 = arith.cmpi ne, %sign3A_167, %sign3A_174 : i32
        %rem3A_176 = arith.remsi %multiple_of3A, %jit3A_159 : i32
        %ne3A_177 = arith.constant 0 : i32
        %ne3A_178 = arith.cmpi ne, %rem3A_176, %ne3A_177 : i32
        %and3A_179 = arith.andi %ne3A_175, %ne3A_178 : i1
        %sub3A_180 = arith.constant 1 : i32
        %sub3A_181 = arith.subi %div3A_160, %sub3A_180 : i32
        %select_n3A_182 = arith.select %and3A_179, %sub3A_181, %div3A_160 : i32
        %jit3A_183 = arith.constant 2 : i32
        %eq3A_184 = arith.constant 0 : i32
        %eq3A_185 = arith.cmpi eq, %jit3A_183, %eq3A_184 : i32
        %jit3A_186 = arith.constant 1 : i32
        %select_n3A_187 = arith.select %eq3A_185, %jit3A_186, %jit3A_183 : i32
        %rem3A_188 = arith.remsi %select_n3A_182, %select_n3A_187 : i32
        %ne3A_189 = arith.constant 0 : i32
        %ne3A_190 = arith.cmpi ne, %rem3A_188, %ne3A_189 : i32
        %lt3A_191 = arith.constant 0 : i32
        %lt3A_192 = arith.cmpi slt, %rem3A_188, %lt3A_191 : i32
        %lt3A_193 = arith.constant 0 : i32
        %lt3A_194 = arith.cmpi slt, %select_n3A_187, %lt3A_193 : i32
        %ne3A_195 = arith.xori %lt3A_192, %lt3A_194 : i1
        %and3A_196 = arith.andi %ne3A_195, %ne3A_190 : i1
        %add3A_197 = arith.addi %rem3A_188, %select_n3A_187 : i32
        %select_n3A_198 = arith.select %and3A_196, %add3A_197, %rem3A_188 : i32
        %dma_wait3A_199 = arith.constant 0 : i32
        %dma_wait3A_200 = arith.constant 0 : i32
        %dma_wait3A_201 = arith.constant 0 : i32
        %dma_wait3A_202 = tpu.memref_slice %arg11[%dma_wait3A_199, %dma_wait3A_200, %dma_wait3A_201] : memref<2x128x128xf32, #tpu.memory_space<vmem>> -> memref<1x128x128xf32, #tpu.memory_space<vmem>>
        %dma_wait3A_203 = tpu.memref_squeeze %dma_wait3A_202 : memref<1x128x128xf32, #tpu.memory_space<vmem>> -> memref<128x128xf32, #tpu.memory_space<vmem>>
        %dma_wait3A_204 = arith.constant 0 : i32
        %dma_wait3A_205 = arith.constant 0 : i32
        %dma_wait3A_206 = tpu.memref_slice %arg2[%dma_wait3A_204, %dma_wait3A_205] : memref<10000x128xf32, #tpu.memory_space<hbm>> -> memref<128x128xf32, #tpu.memory_space<hbm>>
        %dma_wait3A_207 = tpu.memref_slice %arg12[%select_n3A_198] : memref<2x!tpu.dma_semaphore, #tpu.memory_space<semaphore_mem>> -> memref<1x!tpu.dma_semaphore, #tpu.memory_space<semaphore_mem>>
        %dma_wait3A_208 = tpu.memref_squeeze %dma_wait3A_207 : memref<1x!tpu.dma_semaphore, #tpu.memory_space<semaphore_mem>> -> memref<!tpu.dma_semaphore, #tpu.memory_space<semaphore_mem>>
        %dma_wait3A_209 = arith.constant 0 : i32
        %dma_wait3A_210 = arith.constant 0 : i32
        %dma_wait3A_211 = tpu.memref_slice %arg11[%dma_wait3A_199, %dma_wait3A_209, %dma_wait3A_210] : memref<2x128x128xf32, #tpu.memory_space<vmem>> -> memref<1x128x128xf32, #tpu.memory_space<vmem>>
        %dma_wait3A_212 = tpu.memref_squeeze %dma_wait3A_211 : memref<1x128x128xf32, #tpu.memory_space<vmem>> -> memref<128x128xf32, #tpu.memory_space<vmem>>
        %dma_wait3A_213 = arith.constant 0 : i32
        %dma_wait3A_214 = arith.constant 0 : i32
        %dma_wait3A_215 = tpu.memref_slice %arg2[%dma_wait3A_213, %dma_wait3A_214] : memref<10000x128xf32, #tpu.memory_space<hbm>> -> memref<128x128xf32, #tpu.memory_space<hbm>>
        tpu.wait_dma2 semaphore(%dma_wait3A_208 : memref<!tpu.dma_semaphore, #tpu.memory_space<semaphore_mem>>) src(%dma_wait3A_215 : memref<128x128xf32, #tpu.memory_space<hbm>>) dst(%dma_wait3A_212 : memref<128x128xf32, #tpu.memory_space<vmem>>)
        %sub3A_216 = arith.subi %scan3A_142, %multiple_of3A : i32
        %ge3A_217 = arith.constant 256 : i32
        %ge3A_218 = arith.cmpi sge, %sub3A_216, %ge3A_217 : i32
        %convert_element_type3A_219 = arith.extui %ge3A_218 : i1 to i32
        %cond3A_220 = arith.constant 0 : i32
        %cond3A_221 = arith.cmpi ne, %convert_element_type3A_219, %cond3A_220 : i32
        scf.if %cond3A_221 {
          %add3A_231 = arith.constant 128 : i32
          %add3A_232 = arith.addi %multiple_of3A, %add3A_231 : i32
          %multiple_of3A_233 = tpu.assume_multiple %add3A_232, 128 : i32
          %sub3A_234 = arith.constant 1 : i32
          %sub3A_235 = arith.subi %sub3A_234, %select_n3A_198 : i32
          %sub3A_236 = arith.constant 1 : i32
          %sub3A_237 = arith.subi %sub3A_236, %select_n3A_198 : i32
          %dma_start3A_238 = arith.constant 0 : i32
          %dma_start3A_239 = arith.constant 0 : i32
          %dma_start3A_240 = tpu.memref_slice %arg11[%sub3A_235, %dma_start3A_238, %dma_start3A_239] : memref<2x128x128xf32, #tpu.memory_space<vmem>> -> memref<1x128x128xf32, #tpu.memory_space<vmem>>
          %dma_start3A_241 = tpu.memref_squeeze %dma_start3A_240 : memref<1x128x128xf32, #tpu.memory_space<vmem>> -> memref<128x128xf32, #tpu.memory_space<vmem>>
          %dma_start3A_242 = tpu.memref_slice %arg9[%multiple_of3A_233] : memref<3360xi32, #tpu.memory_space<vmem>> -> memref<128xi32, #tpu.memory_space<vmem>>
          %dma_start3A_243 = arith.constant 0 : i32
          %dma_start3A_244 = arith.constant 0 : i32
          %dma_start3A_245 = tpu.memref_slice %arg2[%dma_start3A_243, %dma_start3A_244] : memref<10000x128xf32, #tpu.memory_space<hbm>> -> memref<10000x128xf32, #tpu.memory_space<hbm>>
          %dma_start3A_246 = tpu.memref_slice %arg12[%sub3A_237] : memref<2x!tpu.dma_semaphore, #tpu.memory_space<semaphore_mem>> -> memref<1x!tpu.dma_semaphore, #tpu.memory_space<semaphore_mem>>
          %dma_start3A_247 = tpu.memref_squeeze %dma_start3A_246 : memref<1x!tpu.dma_semaphore, #tpu.memory_space<semaphore_mem>> -> memref<!tpu.dma_semaphore, #tpu.memory_space<semaphore_mem>>
          tpu.enqueue_indirect_dma source(%dma_start3A_245 : memref<10000x128xf32, #tpu.memory_space<hbm>>) target(%dma_start3A_241 : memref<128x128xf32, #tpu.memory_space<vmem>>) offsets(%dma_start3A_242 : memref<128xi32, #tpu.memory_space<vmem>>) semaphore(%dma_start3A_247 : memref<!tpu.dma_semaphore, #tpu.memory_space<semaphore_mem>>)
        } else {
        }
        %scan3A_222 = arith.constant 0 : i32
        %scan3A_223 = arith.constant 0 : i32
        %scan3A_224 = arith.constant 8 : i32
        %scan3A_225 = arith.addi %scan3A_223, %scan3A_224 : i32
        %scan3A_226 = arith.constant 1 : i32
        %scan3A_227 = scf.for %scan3A_231 = %scan3A_223 to %scan3A_225 step %scan3A_226 iter_args(%scan3A_232 = %scan3A_222) -> (i32)  : i32 {
          %mul3A_233 = arith.constant 16 : i32
          %mul3A_234 = arith.muli %scan3A_231, %mul3A_233 : i32
          %add3A_235 = arith.addi %multiple_of3A, %mul3A_234 : i32
          %get3A = arith.index_cast %add3A_235 : i32 to index
          %get3A_236 = tpu.vector_load %arg10[%get3A] {strides = array<i32>} : memref<3360xi32, #tpu.memory_space<vmem>>, vector<16xi32>,
          %max3A = arith.constant 0 : i32
          %max3A_237 = vector.broadcast %max3A : i32 to vector<16xi32>
          %max3A_238 = arith.maxsi %get3A_236, %max3A_237 : vector<16xi32>
          %min3A = arith.constant 320 : i32
          %min3A_239 = vector.broadcast %min3A : i32 to vector<16xi32>
          %min3A_240 = arith.minsi %max3A_238, %min3A_239 : vector<16xi32>
          %slice3A = vector.extract_strided_slice %min3A_240 {offsets = [0], sizes = [1], strides = [1]} : vector<16xi32> to vector<1xi32>
          %squeeze3A = vector.extract %slice3A[0] : i32 from vector<1xi32>
          %get3A_241 = arith.index_cast %squeeze3A : i32 to index
          %get3A_242 = arith.constant 0 : index
          %get3A_243 = tpu.vector_load %arg6[%get3A_241, %get3A_242] {strides = array<i32>} : memref<336x16xf32, #tpu.memory_space<vmem>>, vector<16xf32>,
          %mul3A_244 = arith.constant 16 : i32
          %mul3A_245 = arith.muli %scan3A_231, %mul3A_244 : i32
          %add3A_246 = arith.constant 0 : i32
          %add3A_247 = arith.addi %mul3A_245, %add3A_246 : i32
          %get3A_248 = arith.index_cast %select_n3A_198 : i32 to index
          %get3A_249 = arith.index_cast %add3A_247 : i32 to index
          %get3A_250 = arith.constant 0 : index
          %get3A_251 = tpu.vector_load %arg11[%get3A_248, %get3A_249, %get3A_250] {strides = array<i32>} : memref<2x128x128xf32, #tpu.memory_space<vmem>>, vector<16xf32>,
          %max3A_252 = arith.maximumf %get3A_243, %get3A_251 : vector<16xf32>
          %swap3A_253 = arith.index_cast %squeeze3A : i32 to index
          %swap3A_254 = arith.constant 0 : index
          %swap3A_255 = tpu.vector_load %arg6[%swap3A_253, %swap3A_254] {strides = array<i32>} : memref<336x16xf32, #tpu.memory_space<vmem>>, vector<16xf32>,
          tpu.vector_store %arg6[%swap3A_253, %swap3A_254], %max3A_252 {strides = array<i32>} : memref<336x16xf32, #tpu.memory_space<vmem>>, vector<16xf32>,
          %slice3A_256 = vector.extract_strided_slice %min3A_240 {offsets = [1], sizes = [1], strides = [1]} : vector<16xi32> to vector<1xi32>
          %squeeze3A_257 = vector.extract %slice3A_256[0] : i32 from vector<1xi32>
          %get3A_258 = arith.index_cast %squeeze3A_257 : i32 to index
          %get3A_259 = arith.constant 0 : index
          %get3A_260 = tpu.vector_load %arg6[%get3A_258, %get3A_259] {strides = array<i32>} : memref<336x16xf32, #tpu.memory_space<vmem>>, vector<16xf32>,
          %mul3A_261 = arith.constant 16 : i32
          %mul3A_262 = arith.muli %scan3A_231, %mul3A_261 : i32
          %add3A_263 = arith.constant 1 : i32
          %add3A_264 = arith.addi %mul3A_262, %add3A_263 : i32
          %get3A_265 = arith.index_cast %select_n3A_198 : i32 to index
          %get3A_266 = arith.index_cast %add3A_264 : i32 to index
          %get3A_267 = arith.constant 0 : index
          %get3A_268 = tpu.vector_load %arg11[%get3A_265, %get3A_266, %get3A_267] {strides = array<i32>} : memref<2x128x128xf32, #tpu.memory_space<vmem>>, vector<16xf32>,
          %max3A_269 = arith.maximumf %get3A_260, %get3A_268 : vector<16xf32>
          %swap3A_270 = arith.index_cast %squeeze3A_257 : i32 to index
          %swap3A_271 = arith.constant 0 : index
          %swap3A_272 = tpu.vector_load %arg6[%swap3A_270, %swap3A_271] {strides = array<i32>} : memref<336x16xf32, #tpu.memory_space<vmem>>, vector<16xf32>,
          tpu.vector_store %arg6[%swap3A_270, %swap3A_271], %max3A_269 {strides = array<i32>} : memref<336x16xf32, #tpu.memory_space<vmem>>, vector<16xf32>,
          %slice3A_273 = vector.extract_strided_slice %min3A_240 {offsets = [2], sizes = [1], strides = [1]} : vector<16xi32> to vector<1xi32>
          %squeeze3A_274 = vector.extract %slice3A_273[0] : i32 from vector<1xi32>
          %get3A_275 = arith.index_cast %squeeze3A_274 : i32 to index
          %get3A_276 = arith.constant 0 : index
          %get3A_277 = tpu.vector_load %arg6[%get3A_275, %get3A_276] {strides = array<i32>} : memref<336x16xf32, #tpu.memory_space<vmem>>, vector<16xf32>,
          %mul3A_278 = arith.constant 16 : i32
          %mul3A_279 = arith.muli %scan3A_231, %mul3A_278 : i32
          %add3A_280 = arith.constant 2 : i32
          %add3A_281 = arith.addi %mul3A_279, %add3A_280 : i32
          %get3A_282 = arith.index_cast %select_n3A_198 : i32 to index
          %get3A_283 = arith.index_cast %add3A_281 : i32 to index
          %get3A_284 = arith.constant 0 : index
          %get3A_285 = tpu.vector_load %arg11[%get3A_282, %get3A_283, %get3A_284] {strides = array<i32>} : memref<2x128x128xf32, #tpu.memory_space<vmem>>, vector<16xf32>,
          %max3A_286 = arith.maximumf %get3A_277, %get3A_285 : vector<16xf32>
          %swap3A_287 = arith.index_cast %squeeze3A_274 : i32 to index
          %swap3A_288 = arith.constant 0 : index
          %swap3A_289 = tpu.vector_load %arg6[%swap3A_287, %swap3A_288] {strides = array<i32>} : memref<336x16xf32, #tpu.memory_space<vmem>>, vector<16xf32>,
          tpu.vector_store %arg6[%swap3A_287, %swap3A_288], %max3A_286 {strides = array<i32>} : memref<336x16xf32, #tpu.memory_space<vmem>>, vector<16xf32>,
          %slice3A_290 = vector.extract_strided_slice %min3A_240 {offsets = [3], sizes = [1], strides = [1]} : vector<16xi32> to vector<1xi32>
          %squeeze3A_291 = vector.extract %slice3A_290[0] : i32 from vector<1xi32>
          %get3A_292 = arith.index_cast %squeeze3A_291 : i32 to index
          %get3A_293 = arith.constant 0 : index
          %get3A_294 = tpu.vector_load %arg6[%get3A_292, %get3A_293] {strides = array<i32>} : memref<336x16xf32, #tpu.memory_space<vmem>>, vector<16xf32>,
          %mul3A_295 = arith.constant 16 : i32
          %mul3A_296 = arith.muli %scan3A_231, %mul3A_295 : i32
          %add3A_297 = arith.constant 3 : i32
          %add3A_298 = arith.addi %mul3A_296, %add3A_297 : i32
          %get3A_299 = arith.index_cast %select_n3A_198 : i32 to index
          %get3A_300 = arith.index_cast %add3A_298 : i32 to index
          %get3A_301 = arith.constant 0 : index
          %get3A_302 = tpu.vector_load %arg11[%get3A_299, %get3A_300, %get3A_301] {strides = array<i32>} : memref<2x128x128xf32, #tpu.memory_space<vmem>>, vector<16xf32>,
          %max3A_303 = arith.maximumf %get3A_294, %get3A_302 : vector<16xf32>
          %swap3A_304 = arith.index_cast %squeeze3A_291 : i32 to index
          %swap3A_305 = arith.constant 0 : index
          %swap3A_306 = tpu.vector_load %arg6[%swap3A_304, %swap3A_305] {strides = array<i32>} : memref<336x16xf32, #tpu.memory_space<vmem>>, vector<16xf32>,
          tpu.vector_store %arg6[%swap3A_304, %swap3A_305], %max3A_303 {strides = array<i32>} : memref<336x16xf32, #tpu.memory_space<vmem>>, vector<16xf32>,
          %slice3A_307 = vector.extract_strided_slice %min3A_240 {offsets = [4], sizes = [1], strides = [1]} : vector<16xi32> to vector<1xi32>
          %squeeze3A_308 = vector.extract %slice3A_307[0] : i32 from vector<1xi32>
          %get3A_309 = arith.index_cast %squeeze3A_308 : i32 to index
          %get3A_310 = arith.constant 0 : index
          %get3A_311 = tpu.vector_load %arg6[%get3A_309, %get3A_310] {strides = array<i32>} : memref<336x16xf32, #tpu.memory_space<vmem>>, vector<16xf32>,
          %mul3A_312 = arith.constant 16 : i32
          %mul3A_313 = arith.muli %scan3A_231, %mul3A_312 : i32
          %add3A_314 = arith.constant 4 : i32
          %add3A_315 = arith.addi %mul3A_313, %add3A_314 : i32
          %get3A_316 = arith.index_cast %select_n3A_198 : i32 to index
          %get3A_317 = arith.index_cast %add3A_315 : i32 to index
          %get3A_318 = arith.constant 0 : index
          %get3A_319 = tpu.vector_load %arg11[%get3A_316, %get3A_317, %get3A_318] {strides = array<i32>} : memref<2x128x128xf32, #tpu.memory_space<vmem>>, vector<16xf32>,
          %max3A_320 = arith.maximumf %get3A_311, %get3A_319 : vector<16xf32>
          %swap3A_321 = arith.index_cast %squeeze3A_308 : i32 to index
          %swap3A_322 = arith.constant 0 : index
          %swap3A_323 = tpu.vector_load %arg6[%swap3A_321, %swap3A_322] {strides = array<i32>} : memref<336x16xf32, #tpu.memory_space<vmem>>, vector<16xf32>,
          tpu.vector_store %arg6[%swap3A_321, %swap3A_322], %max3A_320 {strides = array<i32>} : memref<336x16xf32, #tpu.memory_space<vmem>>, vector<16xf32>,
          %slice3A_324 = vector.extract_strided_slice %min3A_240 {offsets = [5], sizes = [1], strides = [1]} : vector<16xi32> to vector<1xi32>
          %squeeze3A_325 = vector.extract %slice3A_324[0] : i32 from vector<1xi32>
          %get3A_326 = arith.index_cast %squeeze3A_325 : i32 to index
          %get3A_327 = arith.constant 0 : index
          %get3A_328 = tpu.vector_load %arg6[%get3A_326, %get3A_327] {strides = array<i32>} : memref<336x16xf32, #tpu.memory_space<vmem>>, vector<16xf32>,
          %mul3A_329 = arith.constant 16 : i32
          %mul3A_330 = arith.muli %scan3A_231, %mul3A_329 : i32
          %add3A_331 = arith.constant 5 : i32
          %add3A_332 = arith.addi %mul3A_330, %add3A_331 : i32
          %get3A_333 = arith.index_cast %select_n3A_198 : i32 to index
          %get3A_334 = arith.index_cast %add3A_332 : i32 to index
          %get3A_335 = arith.constant 0 : index
          %get3A_336 = tpu.vector_load %arg11[%get3A_333, %get3A_334, %get3A_335] {strides = array<i32>} : memref<2x128x128xf32, #tpu.memory_space<vmem>>, vector<16xf32>,
          %max3A_337 = arith.maximumf %get3A_328, %get3A_336 : vector<16xf32>
          %swap3A_338 = arith.index_cast %squeeze3A_325 : i32 to index
          %swap3A_339 = arith.constant 0 : index
          %swap3A_340 = tpu.vector_load %arg6[%swap3A_338, %swap3A_339] {strides = array<i32>} : memref<336x16xf32, #tpu.memory_space<vmem>>, vector<16xf32>,
          tpu.vector_store %arg6[%swap3A_338, %swap3A_339], %max3A_337 {strides = array<i32>} : memref<336x16xf32, #tpu.memory_space<vmem>>, vector<16xf32>,
          %slice3A_341 = vector.extract_strided_slice %min3A_240 {offsets = [6], sizes = [1], strides = [1]} : vector<16xi32> to vector<1xi32>
          %squeeze3A_342 = vector.extract %slice3A_341[0] : i32 from vector<1xi32>
          %get3A_343 = arith.index_cast %squeeze3A_342 : i32 to index
          %get3A_344 = arith.constant 0 : index
          %get3A_345 = tpu.vector_load %arg6[%get3A_343, %get3A_344] {strides = array<i32>} : memref<336x16xf32, #tpu.memory_space<vmem>>, vector<16xf32>,
          %mul3A_346 = arith.constant 16 : i32
          %mul3A_347 = arith.muli %scan3A_231, %mul3A_346 : i32
          %add3A_348 = arith.constant 6 : i32
          %add3A_349 = arith.addi %mul3A_347, %add3A_348 : i32
          %get3A_350 = arith.index_cast %select_n3A_198 : i32 to index
          %get3A_351 = arith.index_cast %add3A_349 : i32 to index
          %get3A_352 = arith.constant 0 : index
          %get3A_353 = tpu.vector_load %arg11[%get3A_350, %get3A_351, %get3A_352] {strides = array<i32>} : memref<2x128x128xf32, #tpu.memory_space<vmem>>, vector<16xf32>,
          %max3A_354 = arith.maximumf %get3A_345, %get3A_353 : vector<16xf32>
          %swap3A_355 = arith.index_cast %squeeze3A_342 : i32 to index
          %swap3A_356 = arith.constant 0 : index
          %swap3A_357 = tpu.vector_load %arg6[%swap3A_355, %swap3A_356] {strides = array<i32>} : memref<336x16xf32, #tpu.memory_space<vmem>>, vector<16xf32>,
          tpu.vector_store %arg6[%swap3A_355, %swap3A_356], %max3A_354 {strides = array<i32>} : memref<336x16xf32, #tpu.memory_space<vmem>>, vector<16xf32>,
          %slice3A_358 = vector.extract_strided_slice %min3A_240 {offsets = [7], sizes = [1], strides = [1]} : vector<16xi32> to vector<1xi32>
          %squeeze3A_359 = vector.extract %slice3A_358[0] : i32 from vector<1xi32>
          %get3A_360 = arith.index_cast %squeeze3A_359 : i32 to index
          %get3A_361 = arith.constant 0 : index
          %get3A_362 = tpu.vector_load %arg6[%get3A_360, %get3A_361] {strides = array<i32>} : memref<336x16xf32, #tpu.memory_space<vmem>>, vector<16xf32>,
          %mul3A_363 = arith.constant 16 : i32
          %mul3A_364 = arith.muli %scan3A_231, %mul3A_363 : i32
          %add3A_365 = arith.constant 7 : i32
          %add3A_366 = arith.addi %mul3A_364, %add3A_365 : i32
          %get3A_367 = arith.index_cast %select_n3A_198 : i32 to index
          %get3A_368 = arith.index_cast %add3A_366 : i32 to index
          %get3A_369 = arith.constant 0 : index
          %get3A_370 = tpu.vector_load %arg11[%get3A_367, %get3A_368, %get3A_369] {strides = array<i32>} : memref<2x128x128xf32, #tpu.memory_space<vmem>>, vector<16xf32>,
          %max3A_371 = arith.maximumf %get3A_362, %get3A_370 : vector<16xf32>
          %swap3A_372 = arith.index_cast %squeeze3A_359 : i32 to index
          %swap3A_373 = arith.constant 0 : index
          %swap3A_374 = tpu.vector_load %arg6[%swap3A_372, %swap3A_373] {strides = array<i32>} : memref<336x16xf32, #tpu.memory_space<vmem>>, vector<16xf32>,
          tpu.vector_store %arg6[%swap3A_372, %swap3A_373], %max3A_371 {strides = array<i32>} : memref<336x16xf32, #tpu.memory_space<vmem>>, vector<16xf32>,
          %slice3A_375 = vector.extract_strided_slice %min3A_240 {offsets = [8], sizes = [1], strides = [1]} : vector<16xi32> to vector<1xi32>
          %squeeze3A_376 = vector.extract %slice3A_375[0] : i32 from vector<1xi32>
          %get3A_377 = arith.index_cast %squeeze3A_376 : i32 to index
          %get3A_378 = arith.constant 0 : index
          %get3A_379 = tpu.vector_load %arg6[%get3A_377, %get3A_378] {strides = array<i32>} : memref<336x16xf32, #tpu.memory_space<vmem>>, vector<16xf32>,
          %mul3A_380 = arith.constant 16 : i32
          %mul3A_381 = arith.muli %scan3A_231, %mul3A_380 : i32
          %add3A_382 = arith.constant 8 : i32
          %add3A_383 = arith.addi %mul3A_381, %add3A_382 : i32
          %get3A_384 = arith.index_cast %select_n3A_198 : i32 to index
          %get3A_385 = arith.index_cast %add3A_383 : i32 to index
          %get3A_386 = arith.constant 0 : index
          %get3A_387 = tpu.vector_load %arg11[%get3A_384, %get3A_385, %get3A_386] {strides = array<i32>} : memref<2x128x128xf32, #tpu.memory_space<vmem>>, vector<16xf32>,
          %max3A_388 = arith.maximumf %get3A_379, %get3A_387 : vector<16xf32>
          %swap3A_389 = arith.index_cast %squeeze3A_376 : i32 to index
          %swap3A_390 = arith.constant 0 : index
          %swap3A_391 = tpu.vector_load %arg6[%swap3A_389, %swap3A_390] {strides = array<i32>} : memref<336x16xf32, #tpu.memory_space<vmem>>, vector<16xf32>,
          tpu.vector_store %arg6[%swap3A_389, %swap3A_390], %max3A_388 {strides = array<i32>} : memref<336x16xf32, #tpu.memory_space<vmem>>, vector<16xf32>,
          %slice3A_392 = vector.extract_strided_slice %min3A_240 {offsets = [9], sizes = [1], strides = [1]} : vector<16xi32> to vector<1xi32>
          %squeeze3A_393 = vector.extract %slice3A_392[0] : i32 from vector<1xi32>
          %get3A_394 = arith.index_cast %squeeze3A_393 : i32 to index
          %get3A_395 = arith.constant 0 : index
          %get3A_396 = tpu.vector_load %arg6[%get3A_394, %get3A_395] {strides = array<i32>} : memref<336x16xf32, #tpu.memory_space<vmem>>, vector<16xf32>,
          %mul3A_397 = arith.constant 16 : i32
          %mul3A_398 = arith.muli %scan3A_231, %mul3A_397 : i32
          %add3A_399 = arith.constant 9 : i32
          %add3A_400 = arith.addi %mul3A_398, %add3A_399 : i32
          %get3A_401 = arith.index_cast %select_n3A_198 : i32 to index
          %get3A_402 = arith.index_cast %add3A_400 : i32 to index
          %get3A_403 = arith.constant 0 : index
          %get3A_404 = tpu.vector_load %arg11[%get3A_401, %get3A_402, %get3A_403] {strides = array<i32>} : memref<2x128x128xf32, #tpu.memory_space<vmem>>, vector<16xf32>,
          %max3A_405 = arith.maximumf %get3A_396, %get3A_404 : vector<16xf32>
          %swap3A_406 = arith.index_cast %squeeze3A_393 : i32 to index
          %swap3A_407 = arith.constant 0 : index
          %swap3A_408 = tpu.vector_load %arg6[%swap3A_406, %swap3A_407] {strides = array<i32>} : memref<336x16xf32, #tpu.memory_space<vmem>>, vector<16xf32>,
          tpu.vector_store %arg6[%swap3A_406, %swap3A_407], %max3A_405 {strides = array<i32>} : memref<336x16xf32, #tpu.memory_space<vmem>>, vector<16xf32>,
          %slice3A_409 = vector.extract_strided_slice %min3A_240 {offsets = [10], sizes = [1], strides = [1]} : vector<16xi32> to vector<1xi32>
          %squeeze3A_410 = vector.extract %slice3A_409[0] : i32 from vector<1xi32>
          %get3A_411 = arith.index_cast %squeeze3A_410 : i32 to index
          %get3A_412 = arith.constant 0 : index
          %get3A_413 = tpu.vector_load %arg6[%get3A_411, %get3A_412] {strides = array<i32>} : memref<336x16xf32, #tpu.memory_space<vmem>>, vector<16xf32>,
          %mul3A_414 = arith.constant 16 : i32
          %mul3A_415 = arith.muli %scan3A_231, %mul3A_414 : i32
          %add3A_416 = arith.constant 10 : i32
          %add3A_417 = arith.addi %mul3A_415, %add3A_416 : i32
          %get3A_418 = arith.index_cast %select_n3A_198 : i32 to index
          %get3A_419 = arith.index_cast %add3A_417 : i32 to index
          %get3A_420 = arith.constant 0 : index
          %get3A_421 = tpu.vector_load %arg11[%get3A_418, %get3A_419, %get3A_420] {strides = array<i32>} : memref<2x128x128xf32, #tpu.memory_space<vmem>>, vector<16xf32>,
          %max3A_422 = arith.maximumf %get3A_413, %get3A_421 : vector<16xf32>
          %swap3A_423 = arith.index_cast %squeeze3A_410 : i32 to index
          %swap3A_424 = arith.constant 0 : index
          %swap3A_425 = tpu.vector_load %arg6[%swap3A_423, %swap3A_424] {strides = array<i32>} : memref<336x16xf32, #tpu.memory_space<vmem>>, vector<16xf32>,
          tpu.vector_store %arg6[%swap3A_423, %swap3A_424], %max3A_422 {strides = array<i32>} : memref<336x16xf32, #tpu.memory_space<vmem>>, vector<16xf32>,
          %slice3A_426 = vector.extract_strided_slice %min3A_240 {offsets = [11], sizes = [1], strides = [1]} : vector<16xi32> to vector<1xi32>
          %squeeze3A_427 = vector.extract %slice3A_426[0] : i32 from vector<1xi32>
          %get3A_428 = arith.index_cast %squeeze3A_427 : i32 to index
          %get3A_429 = arith.constant 0 : index
          %get3A_430 = tpu.vector_load %arg6[%get3A_428, %get3A_429] {strides = array<i32>} : memref<336x16xf32, #tpu.memory_space<vmem>>, vector<16xf32>,
          %mul3A_431 = arith.constant 16 : i32
          %mul3A_432 = arith.muli %scan3A_231, %mul3A_431 : i32
          %add3A_433 = arith.constant 11 : i32
          %add3A_434 = arith.addi %mul3A_432, %add3A_433 : i32
          %get3A_435 = arith.index_cast %select_n3A_198 : i32 to index
          %get3A_436 = arith.index_cast %add3A_434 : i32 to index
          %get3A_437 = arith.constant 0 : index
          %get3A_438 = tpu.vector_load %arg11[%get3A_435, %get3A_436, %get3A_437] {strides = array<i32>} : memref<2x128x128xf32, #tpu.memory_space<vmem>>, vector<16xf32>,
          %max3A_439 = arith.maximumf %get3A_430, %get3A_438 : vector<16xf32>
          %swap3A_440 = arith.index_cast %squeeze3A_427 : i32 to index
          %swap3A_441 = arith.constant 0 : index
          %swap3A_442 = tpu.vector_load %arg6[%swap3A_440, %swap3A_441] {strides = array<i32>} : memref<336x16xf32, #tpu.memory_space<vmem>>, vector<16xf32>,
          tpu.vector_store %arg6[%swap3A_440, %swap3A_441], %max3A_439 {strides = array<i32>} : memref<336x16xf32, #tpu.memory_space<vmem>>, vector<16xf32>,
          %slice3A_443 = vector.extract_strided_slice %min3A_240 {offsets = [12], sizes = [1], strides = [1]} : vector<16xi32> to vector<1xi32>
          %squeeze3A_444 = vector.extract %slice3A_443[0] : i32 from vector<1xi32>
          %get3A_445 = arith.index_cast %squeeze3A_444 : i32 to index
          %get3A_446 = arith.constant 0 : index
          %get3A_447 = tpu.vector_load %arg6[%get3A_445, %get3A_446] {strides = array<i32>} : memref<336x16xf32, #tpu.memory_space<vmem>>, vector<16xf32>,
          %mul3A_448 = arith.constant 16 : i32
          %mul3A_449 = arith.muli %scan3A_231, %mul3A_448 : i32
          %add3A_450 = arith.constant 12 : i32
          %add3A_451 = arith.addi %mul3A_449, %add3A_450 : i32
          %get3A_452 = arith.index_cast %select_n3A_198 : i32 to index
          %get3A_453 = arith.index_cast %add3A_451 : i32 to index
          %get3A_454 = arith.constant 0 : index
          %get3A_455 = tpu.vector_load %arg11[%get3A_452, %get3A_453, %get3A_454] {strides = array<i32>} : memref<2x128x128xf32, #tpu.memory_space<vmem>>, vector<16xf32>,
          %max3A_456 = arith.maximumf %get3A_447, %get3A_455 : vector<16xf32>
          %swap3A_457 = arith.index_cast %squeeze3A_444 : i32 to index
          %swap3A_458 = arith.constant 0 : index
          %swap3A_459 = tpu.vector_load %arg6[%swap3A_457, %swap3A_458] {strides = array<i32>} : memref<336x16xf32, #tpu.memory_space<vmem>>, vector<16xf32>,
          tpu.vector_store %arg6[%swap3A_457, %swap3A_458], %max3A_456 {strides = array<i32>} : memref<336x16xf32, #tpu.memory_space<vmem>>, vector<16xf32>,
          %slice3A_460 = vector.extract_strided_slice %min3A_240 {offsets = [13], sizes = [1], strides = [1]} : vector<16xi32> to vector<1xi32>
          %squeeze3A_461 = vector.extract %slice3A_460[0] : i32 from vector<1xi32>
          %get3A_462 = arith.index_cast %squeeze3A_461 : i32 to index
          %get3A_463 = arith.constant 0 : index
          %get3A_464 = tpu.vector_load %arg6[%get3A_462, %get3A_463] {strides = array<i32>} : memref<336x16xf32, #tpu.memory_space<vmem>>, vector<16xf32>,
          %mul3A_465 = arith.constant 16 : i32
          %mul3A_466 = arith.muli %scan3A_231, %mul3A_465 : i32
          %add3A_467 = arith.constant 13 : i32
          %add3A_468 = arith.addi %mul3A_466, %add3A_467 : i32
          %get3A_469 = arith.index_cast %select_n3A_198 : i32 to index
          %get3A_470 = arith.index_cast %add3A_468 : i32 to index
          %get3A_471 = arith.constant 0 : index
          %get3A_472 = tpu.vector_load %arg11[%get3A_469, %get3A_470, %get3A_471] {strides = array<i32>} : memref<2x128x128xf32, #tpu.memory_space<vmem>>, vector<16xf32>,
          %max3A_473 = arith.maximumf %get3A_464, %get3A_472 : vector<16xf32>
          %swap3A_474 = arith.index_cast %squeeze3A_461 : i32 to index
          %swap3A_475 = arith.constant 0 : index
          %swap3A_476 = tpu.vector_load %arg6[%swap3A_474, %swap3A_475] {strides = array<i32>} : memref<336x16xf32, #tpu.memory_space<vmem>>, vector<16xf32>,
          tpu.vector_store %arg6[%swap3A_474, %swap3A_475], %max3A_473 {strides = array<i32>} : memref<336x16xf32, #tpu.memory_space<vmem>>, vector<16xf32>,
          %slice3A_477 = vector.extract_strided_slice %min3A_240 {offsets = [14], sizes = [1], strides = [1]} : vector<16xi32> to vector<1xi32>
          %squeeze3A_478 = vector.extract %slice3A_477[0] : i32 from vector<1xi32>
          %get3A_479 = arith.index_cast %squeeze3A_478 : i32 to index
          %get3A_480 = arith.constant 0 : index
          %get3A_481 = tpu.vector_load %arg6[%get3A_479, %get3A_480] {strides = array<i32>} : memref<336x16xf32, #tpu.memory_space<vmem>>, vector<16xf32>,
          %mul3A_482 = arith.constant 16 : i32
          %mul3A_483 = arith.muli %scan3A_231, %mul3A_482 : i32
          %add3A_484 = arith.constant 14 : i32
          %add3A_485 = arith.addi %mul3A_483, %add3A_484 : i32
          %get3A_486 = arith.index_cast %select_n3A_198 : i32 to index
          %get3A_487 = arith.index_cast %add3A_485 : i32 to index
          %get3A_488 = arith.constant 0 : index
          %get3A_489 = tpu.vector_load %arg11[%get3A_486, %get3A_487, %get3A_488] {strides = array<i32>} : memref<2x128x128xf32, #tpu.memory_space<vmem>>, vector<16xf32>,
          %max3A_490 = arith.maximumf %get3A_481, %get3A_489 : vector<16xf32>
          %swap3A_491 = arith.index_cast %squeeze3A_478 : i32 to index
          %swap3A_492 = arith.constant 0 : index
          %swap3A_493 = tpu.vector_load %arg6[%swap3A_491, %swap3A_492] {strides = array<i32>} : memref<336x16xf32, #tpu.memory_space<vmem>>, vector<16xf32>,
          tpu.vector_store %arg6[%swap3A_491, %swap3A_492], %max3A_490 {strides = array<i32>} : memref<336x16xf32, #tpu.memory_space<vmem>>, vector<16xf32>,
          %slice3A_494 = vector.extract_strided_slice %min3A_240 {offsets = [15], sizes = [1], strides = [1]} : vector<16xi32> to vector<1xi32>
          %squeeze3A_495 = vector.extract %slice3A_494[0] : i32 from vector<1xi32>
          %get3A_496 = arith.index_cast %squeeze3A_495 : i32 to index
          %get3A_497 = arith.constant 0 : index
          %get3A_498 = tpu.vector_load %arg6[%get3A_496, %get3A_497] {strides = array<i32>} : memref<336x16xf32, #tpu.memory_space<vmem>>, vector<16xf32>,
          %mul3A_499 = arith.constant 16 : i32
          %mul3A_500 = arith.muli %scan3A_231, %mul3A_499 : i32
          %add3A_501 = arith.constant 15 : i32
          %add3A_502 = arith.addi %mul3A_500, %add3A_501 : i32
          %get3A_503 = arith.index_cast %select_n3A_198 : i32 to index
          %get3A_504 = arith.index_cast %add3A_502 : i32 to index
          %get3A_505 = arith.constant 0 : index
          %get3A_506 = tpu.vector_load %arg11[%get3A_503, %get3A_504, %get3A_505] {strides = array<i32>} : memref<2x128x128xf32, #tpu.memory_space<vmem>>, vector<16xf32>,
          %max3A_507 = arith.maximumf %get3A_498, %get3A_506 : vector<16xf32>
          %swap3A_508 = arith.index_cast %squeeze3A_495 : i32 to index
          %swap3A_509 = arith.constant 0 : index
          %swap3A_510 = tpu.vector_load %arg6[%swap3A_508, %swap3A_509] {strides = array<i32>} : memref<336x16xf32, #tpu.memory_space<vmem>>, vector<16xf32>,
          tpu.vector_store %arg6[%swap3A_508, %swap3A_509], %max3A_507 {strides = array<i32>} : memref<336x16xf32, #tpu.memory_space<vmem>>, vector<16xf32>,
          %scan3A_511 = arith.constant 0 : i32
          scf.yield %scan3A_511 : i32
        }
        %scan3A_228 = arith.constant 8 : i32
        %add3A_229 = arith.constant 128 : i32
        %add3A_230 = arith.addi %multiple_of3A, %add3A_229 : i32
        scf.yield %add3A_230 : i32
      }
      %scan3A_150 = arith.constant 0 : i32
      %scan3A_151 = arith.constant 0 : i32
      %scan3A_152 = arith.constant 8 : i32
      %scan3A_153 = arith.addi %scan3A_151, %scan3A_152 : i32
      %scan3A_154 = arith.constant 1 : i32
      %scan3A_155 = scf.for %scan3A_158 = %scan3A_151 to %scan3A_153 step %scan3A_154 iter_args(%scan3A_159 = %scan3A_150) -> (i32)  : i32 {
        %mul3A_160 = arith.constant 16 : i32
        %mul3A_161 = arith.muli %scan3A_158, %mul3A_160 : i32
        %add3A_162 = arith.addi %while3A_149, %mul3A_161 : i32
        %get3A = arith.index_cast %add3A_162 : i32 to index
        %get3A_163 = tpu.vector_load %arg9[%get3A] {strides = array<i32>} : memref<3360xi32, #tpu.memory_space<vmem>>, vector<16xi32>,
        %mul3A_164 = arith.constant 16 : i32
        %mul3A_165 = arith.muli %scan3A_158, %mul3A_164 : i32
        %swap3A_166 = arith.index_cast %mul3A_165 : i32 to index
        %swap3A_167 = tpu.vector_load %arg9[%swap3A_166] {strides = array<i32>} : memref<3360xi32, #tpu.memory_space<vmem>>, vector<16xi32>,
        tpu.vector_store %arg9[%swap3A_166], %get3A_163 {strides = array<i32>} : memref<3360xi32, #tpu.memory_space<vmem>>, vector<16xi32>,
        %mul3A_168 = arith.constant 16 : i32
        %mul3A_169 = arith.muli %scan3A_158, %mul3A_168 : i32
        %add3A_170 = arith.addi %while3A_149, %mul3A_169 : i32
        %get3A_171 = arith.index_cast %add3A_170 : i32 to index
        %get3A_172 = tpu.vector_load %arg10[%get3A_171] {strides = array<i32>} : memref<3360xi32, #tpu.memory_space<vmem>>, vector<16xi32>,
        %mul3A_173 = arith.constant 16 : i32
        %mul3A_174 = arith.muli %scan3A_158, %mul3A_173 : i32
        %swap3A_175 = arith.index_cast %mul3A_174 : i32 to index
        %swap3A_176 = tpu.vector_load %arg10[%swap3A_175] {strides = array<i32>} : memref<3360xi32, #tpu.memory_space<vmem>>, vector<16xi32>,
        tpu.vector_store %arg10[%swap3A_175], %get3A_172 {strides = array<i32>} : memref<3360xi32, #tpu.memory_space<vmem>>, vector<16xi32>,
        %scan3A_177 = arith.constant 0 : i32
        scf.yield %scan3A_177 : i32
      }
      %scan3A_156 = arith.constant 8 : i32
      %sub3A_157 = arith.subi %scan3A_142, %while3A_149 : i32
      scf.yield %sub3A_157 : i32
    }
    %scan3A_36 = arith.constant 100 : i32
    %broadcast_in_dim3A = arith.constant 320 : i32
    %broadcast_in_dim3A_37 = vector.broadcast %broadcast_in_dim3A : i32 to vector<16xi32>
    %swap3A = arith.index_cast %scan3A_35 : i32 to index
    %swap3A_38 = tpu.vector_load %arg10[%swap3A] {strides = array<i32>} : memref<3360xi32, #tpu.memory_space<vmem>>, vector<16xi32>,
    tpu.vector_store %arg10[%swap3A], %broadcast_in_dim3A_37 {strides = array<i32>} : memref<3360xi32, #tpu.memory_space<vmem>>, vector<16xi32>,
    %broadcast_in_dim3A_39 = arith.constant 0 : i32
    %broadcast_in_dim3A_40 = vector.broadcast %broadcast_in_dim3A_39 : i32 to vector<16xi32>
    %swap3A_41 = arith.index_cast %scan3A_35 : i32 to index
    %swap3A_42 = tpu.vector_load %arg9[%swap3A_41] {strides = array<i32>} : memref<3360xi32, #tpu.memory_space<vmem>>, vector<16xi32>,
    tpu.vector_store %arg9[%swap3A_41], %broadcast_in_dim3A_40 {strides = array<i32>} : memref<3360xi32, #tpu.memory_space<vmem>>, vector<16xi32>,
    %add3A_43 = arith.constant 15 : i32
    %add3A_44 = arith.addi %scan3A_35, %add3A_43 : i32
    %jit3A = arith.constant 16 : i32
    %div3A = arith.divsi %add3A_44, %jit3A : i32
    %sign3A = arith.constant 0 : i32
    %sign3A_45 = arith.cmpi sgt, %add3A_44, %sign3A : i32
    %sign3A_46 = arith.extui %sign3A_45 : i1 to i32
    %sign3A_47 = arith.constant 0 : i32
    %sign3A_48 = arith.cmpi slt, %add3A_44, %sign3A_47 : i32
    %sign3A_49 = arith.extui %sign3A_48 : i1 to i32
    %sign3A_50 = arith.subi %sign3A_46, %sign3A_49 : i32
    %sign3A_51 = arith.constant 0 : i32
    %sign3A_52 = arith.cmpi sgt, %jit3A, %sign3A_51 : i32
    %sign3A_53 = arith.extui %sign3A_52 : i1 to i32
    %sign3A_54 = arith.constant 0 : i32
    %sign3A_55 = arith.cmpi slt, %jit3A, %sign3A_54 : i32
    %sign3A_56 = arith.extui %sign3A_55 : i1 to i32
    %sign3A_57 = arith.subi %sign3A_53, %sign3A_56 : i32
    %ne3A = arith.cmpi ne, %sign3A_50, %sign3A_57 : i32
    %rem3A = arith.remsi %add3A_44, %jit3A : i32
    %ne3A_58 = arith.constant 0 : i32
    %ne3A_59 = arith.cmpi ne, %rem3A, %ne3A_58 : i32
    %and3A = arith.andi %ne3A, %ne3A_59 : i1
    %sub3A = arith.constant 1 : i32
    %sub3A_60 = arith.subi %div3A, %sub3A : i32
    %select_n3A = arith.select %and3A, %sub3A_60, %div3A : i32
    %while3A = arith.constant 0 : i32
    %while3A_61 = arith.constant 0 : i32
    %while3A_62 = arith.subi %select_n3A, %while3A : i32
    %while3A_63 = arith.addi %while3A, %while3A_62 : i32
    %while3A_64 = arith.constant 1 : i32
    %while3A_65 = arith.divsi %while3A_62, %while3A_64 : i32
    %while3A_66 = arith.muli %while3A_65, %while3A_64 : i32
    %while3A_67 = arith.addi %while3A, %while3A_66 : i32
    %while3A_68 = arith.constant 1 : i32
    %while3A_69 = scf.for %while3A_96 = %while3A to %while3A_67 step %while3A_68 iter_args(%while3A_97 = %while3A_61) -> (i32)  : i32 {
      %mul3A_98 = arith.constant 16 : i32
      %mul3A_99 = arith.muli %while3A_96, %mul3A_98 : i32
      %get3A = arith.index_cast %mul3A_99 : i32 to index
      %get3A_100 = tpu.vector_load %arg9[%get3A] {strides = array<i32>} : memref<3360xi32, #tpu.memory_space<vmem>>, vector<16xi32>,
      %max3A = arith.constant 0 : i32
      %max3A_101 = vector.broadcast %max3A : i32 to vector<16xi32>
      %max3A_102 = arith.maxsi %get3A_100, %max3A_101 : vector<16xi32>
      %min3A = arith.constant 9999 : i32
      %min3A_103 = vector.broadcast %min3A : i32 to vector<16xi32>
      %min3A_104 = arith.minsi %max3A_102, %min3A_103 : vector<16xi32>
      %mul3A_105 = arith.constant 16 : i32
      %mul3A_106 = arith.muli %while3A_96, %mul3A_105 : i32
      %dma_start3A_107 = arith.constant 0 : i32
      %dma_start3A_108 = arith.constant 0 : i32
      %dma_start3A_109 = arith.constant 0 : i32
      %dma_start3A_110 = tpu.memref_slice %arg11[%dma_start3A_107, %mul3A_106, %dma_start3A_109] : memref<2x128x128xf32, #tpu.memory_space<vmem>> -> memref<1x16x128xf32, #tpu.memory_space<vmem>>
      %dma_start3A_111 = tpu.memref_squeeze %dma_start3A_110 : memref<1x16x128xf32, #tpu.memory_space<vmem>> -> memref<16x128xf32, #tpu.memory_space<vmem>>
      %dma_start3A_112 = arith.constant 0 : i32
      %dma_start3A_113 = arith.constant 0 : i32
      %dma_start3A_114 = tpu.memref_slice %arg2[%dma_start3A_112, %dma_start3A_113] : memref<10000x128xf32, #tpu.memory_space<hbm>> -> memref<10000x128xf32, #tpu.memory_space<hbm>>
      %dma_start3A_115 = tpu.memref_slice %arg12[%dma_start3A_108] : memref<2x!tpu.dma_semaphore, #tpu.memory_space<semaphore_mem>> -> memref<1x!tpu.dma_semaphore, #tpu.memory_space<semaphore_mem>>
      %dma_start3A_116 = tpu.memref_squeeze %dma_start3A_115 : memref<1x!tpu.dma_semaphore, #tpu.memory_space<semaphore_mem>> -> memref<!tpu.dma_semaphore, #tpu.memory_space<semaphore_mem>>
      tpu.enqueue_indirect_dma source(%dma_start3A_114 : memref<10000x128xf32, #tpu.memory_space<hbm>>) target(%dma_start3A_111 : memref<16x128xf32, #tpu.memory_space<vmem>>) offsets(%min3A_104 : vector<16xi32>) semaphore(%dma_start3A_116 : memref<!tpu.dma_semaphore, #tpu.memory_space<semaphore_mem>>)
      %while3A_117 = arith.constant 0 : i32
      scf.yield %while3A_117 : i32
    }
    %while3A_70 = arith.constant 1 : i32
    %while3A_71 = scf.for %while3A_96 = %while3A_67 to %while3A_63 step %while3A_70 iter_args(%while3A_97 = %while3A_69) -> (i32)  : i32 {
      %mul3A_98 = arith.constant 16 : i32
      %mul3A_99 = arith.muli %while3A_96, %mul3A_98 : i32
      %get3A = arith.index_cast %mul3A_99 : i32 to index
      %get3A_100 = tpu.vector_load %arg9[%get3A] {strides = array<i32>} : memref<3360xi32, #tpu.memory_space<vmem>>, vector<16xi32>,
      %max3A = arith.constant 0 : i32
      %max3A_101 = vector.broadcast %max3A : i32 to vector<16xi32>
      %max3A_102 = arith.maxsi %get3A_100, %max3A_101 : vector<16xi32>
      %min3A = arith.constant 9999 : i32
      %min3A_103 = vector.broadcast %min3A : i32 to vector<16xi32>
      %min3A_104 = arith.minsi %max3A_102, %min3A_103 : vector<16xi32>
      %mul3A_105 = arith.constant 16 : i32
      %mul3A_106 = arith.muli %while3A_96, %mul3A_105 : i32
      %dma_start3A_107 = arith.constant 0 : i32
      %dma_start3A_108 = arith.constant 0 : i32
      %dma_start3A_109 = arith.constant 0 : i32
      %dma_start3A_110 = tpu.memref_slice %arg11[%dma_start3A_107, %mul3A_106, %dma_start3A_109] : memref<2x128x128xf32, #tpu.memory_space<vmem>> -> memref<1x16x128xf32, #tpu.memory_space<vmem>>
      %dma_start3A_111 = tpu.memref_squeeze %dma_start3A_110 : memref<1x16x128xf32, #tpu.memory_space<vmem>> -> memref<16x128xf32, #tpu.memory_space<vmem>>
      %dma_start3A_112 = arith.constant 0 : i32
      %dma_start3A_113 = arith.constant 0 : i32
      %dma_start3A_114 = tpu.memref_slice %arg2[%dma_start3A_112, %dma_start3A_113] : memref<10000x128xf32, #tpu.memory_space<hbm>> -> memref<10000x128xf32, #tpu.memory_space<hbm>>
      %dma_start3A_115 = tpu.memref_slice %arg12[%dma_start3A_108] : memref<2x!tpu.dma_semaphore, #tpu.memory_space<semaphore_mem>> -> memref<1x!tpu.dma_semaphore, #tpu.memory_space<semaphore_mem>>
      %dma_start3A_116 = tpu.memref_squeeze %dma_start3A_115 : memref<1x!tpu.dma_semaphore, #tpu.memory_space<semaphore_mem>> -> memref<!tpu.dma_semaphore, #tpu.memory_space<semaphore_mem>>
      tpu.enqueue_indirect_dma source(%dma_start3A_114 : memref<10000x128xf32, #tpu.memory_space<hbm>>) target(%dma_start3A_111 : memref<16x128xf32, #tpu.memory_space<vmem>>) offsets(%min3A_104 : vector<16xi32>) semaphore(%dma_start3A_116 : memref<!tpu.dma_semaphore, #tpu.memory_space<semaphore_mem>>)
      %while3A_117 = arith.constant 0 : i32
      scf.yield %while3A_117 : i32
    }
    %while3A_72 = arith.constant 0 : i32
    %while3A_73 = arith.constant 0 : i32
    %while3A_74 = arith.subi %select_n3A, %while3A_72 : i32
    %while3A_75 = arith.addi %while3A_72, %while3A_74 : i32
    %while3A_76 = arith.constant 1 : i32
    %while3A_77 = arith.divsi %while3A_74, %while3A_76 : i32
    %while3A_78 = arith.muli %while3A_77, %while3A_76 : i32
    %while3A_79 = arith.addi %while3A_72, %while3A_78 : i32
    %while3A_80 = arith.constant 1 : i32
    %while3A_81 = scf.for %while3A_96 = %while3A_72 to %while3A_79 step %while3A_80 iter_args(%while3A_97 = %while3A_73) -> (i32)  : i32 {
      %dma_wait3A = arith.constant 0 : i32
      %dma_wait3A_98 = arith.constant 0 : i32
      %dma_wait3A_99 = arith.constant 0 : i32
      %dma_wait3A_100 = arith.constant 0 : i32
      %dma_wait3A_101 = tpu.memref_slice %arg11[%dma_wait3A, %dma_wait3A_99, %dma_wait3A_100] : memref<2x128x128xf32, #tpu.memory_space<vmem>> -> memref<1x16x128xf32, #tpu.memory_space<vmem>>
      %dma_wait3A_102 = tpu.memref_squeeze %dma_wait3A_101 : memref<1x16x128xf32, #tpu.memory_space<vmem>> -> memref<16x128xf32, #tpu.memory_space<vmem>>
      %dma_wait3A_103 = arith.constant 0 : i32
      %dma_wait3A_104 = arith.constant 0 : i32
      %dma_wait3A_105 = tpu.memref_slice %arg2[%dma_wait3A_103, %dma_wait3A_104] : memref<10000x128xf32, #tpu.memory_space<hbm>> -> memref<16x128xf32, #tpu.memory_space<hbm>>
      %dma_wait3A_106 = tpu.memref_slice %arg12[%dma_wait3A_98] : memref<2x!tpu.dma_semaphore, #tpu.memory_space<semaphore_mem>> -> memref<1x!tpu.dma_semaphore, #tpu.memory_space<semaphore_mem>>
      %dma_wait3A_107 = tpu.memref_squeeze %dma_wait3A_106 : memref<1x!tpu.dma_semaphore, #tpu.memory_space<semaphore_mem>> -> memref<!tpu.dma_semaphore, #tpu.memory_space<semaphore_mem>>
      %dma_wait3A_108 = arith.constant 0 : i32
      %dma_wait3A_109 = arith.constant 0 : i32
      %dma_wait3A_110 = tpu.memref_slice %arg11[%dma_wait3A, %dma_wait3A_108, %dma_wait3A_109] : memref<2x128x128xf32, #tpu.memory_space<vmem>> -> memref<1x16x128xf32, #tpu.memory_space<vmem>>
      %dma_wait3A_111 = tpu.memref_squeeze %dma_wait3A_110 : memref<1x16x128xf32, #tpu.memory_space<vmem>> -> memref<16x128xf32, #tpu.memory_space<vmem>>
      %dma_wait3A_112 = arith.constant 0 : i32
      %dma_wait3A_113 = arith.constant 0 : i32
      %dma_wait3A_114 = tpu.memref_slice %arg2[%dma_wait3A_112, %dma_wait3A_113] : memref<10000x128xf32, #tpu.memory_space<hbm>> -> memref<16x128xf32, #tpu.memory_space<hbm>>
      tpu.wait_dma2 semaphore(%dma_wait3A_107 : memref<!tpu.dma_semaphore, #tpu.memory_space<semaphore_mem>>) src(%dma_wait3A_114 : memref<16x128xf32, #tpu.memory_space<hbm>>) dst(%dma_wait3A_111 : memref<16x128xf32, #tpu.memory_space<vmem>>)
      %while3A_115 = arith.constant 0 : i32
      scf.yield %while3A_115 : i32
    }
    %while3A_82 = arith.constant 1 : i32
    %while3A_83 = scf.for %while3A_96 = %while3A_79 to %while3A_75 step %while3A_82 iter_args(%while3A_97 = %while3A_81) -> (i32)  : i32 {
      %dma_wait3A = arith.constant 0 : i32
      %dma_wait3A_98 = arith.constant 0 : i32
      %dma_wait3A_99 = arith.constant 0 : i32
      %dma_wait3A_100 = arith.constant 0 : i32
      %dma_wait3A_101 = tpu.memref_slice %arg11[%dma_wait3A, %dma_wait3A_99, %dma_wait3A_100] : memref<2x128x128xf32, #tpu.memory_space<vmem>> -> memref<1x16x128xf32, #tpu.memory_space<vmem>>
      %dma_wait3A_102 = tpu.memref_squeeze %dma_wait3A_101 : memref<1x16x128xf32, #tpu.memory_space<vmem>> -> memref<16x128xf32, #tpu.memory_space<vmem>>
      %dma_wait3A_103 = arith.constant 0 : i32
      %dma_wait3A_104 = arith.constant 0 : i32
      %dma_wait3A_105 = tpu.memref_slice %arg2[%dma_wait3A_103, %dma_wait3A_104] : memref<10000x128xf32, #tpu.memory_space<hbm>> -> memref<16x128xf32, #tpu.memory_space<hbm>>
      %dma_wait3A_106 = tpu.memref_slice %arg12[%dma_wait3A_98] : memref<2x!tpu.dma_semaphore, #tpu.memory_space<semaphore_mem>> -> memref<1x!tpu.dma_semaphore, #tpu.memory_space<semaphore_mem>>
      %dma_wait3A_107 = tpu.memref_squeeze %dma_wait3A_106 : memref<1x!tpu.dma_semaphore, #tpu.memory_space<semaphore_mem>> -> memref<!tpu.dma_semaphore, #tpu.memory_space<semaphore_mem>>
      %dma_wait3A_108 = arith.constant 0 : i32
      %dma_wait3A_109 = arith.constant 0 : i32
      %dma_wait3A_110 = tpu.memref_slice %arg11[%dma_wait3A, %dma_wait3A_108, %dma_wait3A_109] : memref<2x128x128xf32, #tpu.memory_space<vmem>> -> memref<1x16x128xf32, #tpu.memory_space<vmem>>
      %dma_wait3A_111 = tpu.memref_squeeze %dma_wait3A_110 : memref<1x16x128xf32, #tpu.memory_space<vmem>> -> memref<16x128xf32, #tpu.memory_space<vmem>>
      %dma_wait3A_112 = arith.constant 0 : i32
      %dma_wait3A_113 = arith.constant 0 : i32
      %dma_wait3A_114 = tpu.memref_slice %arg2[%dma_wait3A_112, %dma_wait3A_113] : memref<10000x128xf32, #tpu.memory_space<hbm>> -> memref<16x128xf32, #tpu.memory_space<hbm>>
      tpu.wait_dma2 semaphore(%dma_wait3A_107 : memref<!tpu.dma_semaphore, #tpu.memory_space<semaphore_mem>>) src(%dma_wait3A_114 : memref<16x128xf32, #tpu.memory_space<hbm>>) dst(%dma_wait3A_111 : memref<16x128xf32, #tpu.memory_space<vmem>>)
      %while3A_115 = arith.constant 0 : i32
      scf.yield %while3A_115 : i32
    }
    %while3A_84 = arith.constant 0 : i32
    %while3A_85 = arith.constant 0 : i32
    %while3A_86 = arith.subi %select_n3A, %while3A_84 : i32
    %while3A_87 = arith.addi %while3A_84, %while3A_86 : i32
    %while3A_88 = arith.constant 1 : i32
    %while3A_89 = arith.divsi %while3A_86, %while3A_88 : i32
    %while3A_90 = arith.muli %while3A_89, %while3A_88 : i32
    %while3A_91 = arith.addi %while3A_84, %while3A_90 : i32
    %while3A_92 = arith.constant 1 : i32
    %while3A_93 = scf.for %while3A_96 = %while3A_84 to %while3A_91 step %while3A_92 iter_args(%while3A_97 = %while3A_85) -> (i32)  : i32 {
      %mul3A_98 = arith.constant 16 : i32
      %mul3A_99 = arith.muli %while3A_96, %mul3A_98 : i32
      %get3A = arith.index_cast %mul3A_99 : i32 to index
      %get3A_100 = tpu.vector_load %arg10[%get3A] {strides = array<i32>} : memref<3360xi32, #tpu.memory_space<vmem>>, vector<16xi32>,
      %max3A = arith.constant 0 : i32
      %max3A_101 = vector.broadcast %max3A : i32 to vector<16xi32>
      %max3A_102 = arith.maxsi %get3A_100, %max3A_101 : vector<16xi32>
      %min3A = arith.constant 320 : i32
      %min3A_103 = vector.broadcast %min3A : i32 to vector<16xi32>
      %min3A_104 = arith.minsi %max3A_102, %min3A_103 : vector<16xi32>
      %slice3A = vector.extract_strided_slice %min3A_104 {offsets = [0], sizes = [1], strides = [1]} : vector<16xi32> to vector<1xi32>
      %squeeze3A = vector.extract %slice3A[0] : i32 from vector<1xi32>
      %get3A_105 = arith.index_cast %squeeze3A : i32 to index
      %get3A_106 = arith.constant 0 : index
      %get3A_107 = tpu.vector_load %arg6[%get3A_105, %get3A_106] {strides = array<i32>} : memref<336x16xf32, #tpu.memory_space<vmem>>, vector<16xf32>,
      %mul3A_108 = arith.constant 16 : i32
      %mul3A_109 = arith.muli %while3A_96, %mul3A_108 : i32
      %add3A_110 = arith.constant 0 : i32
      %add3A_111 = arith.addi %mul3A_109, %add3A_110 : i32
      %get3A_112 = arith.constant 0 : i32
      %get3A_113 = arith.index_cast %get3A_112 : i32 to index
      %get3A_114 = arith.index_cast %add3A_111 : i32 to index
      %get3A_115 = arith.constant 0 : index
      %get3A_116 = tpu.vector_load %arg11[%get3A_113, %get3A_114, %get3A_115] {strides = array<i32>} : memref<2x128x128xf32, #tpu.memory_space<vmem>>, vector<16xf32>,
      %max3A_117 = arith.maximumf %get3A_107, %get3A_116 : vector<16xf32>
      %swap3A_118 = arith.index_cast %squeeze3A : i32 to index
      %swap3A_119 = arith.constant 0 : index
      %swap3A_120 = tpu.vector_load %arg6[%swap3A_118, %swap3A_119] {strides = array<i32>} : memref<336x16xf32, #tpu.memory_space<vmem>>, vector<16xf32>,
      tpu.vector_store %arg6[%swap3A_118, %swap3A_119], %max3A_117 {strides = array<i32>} : memref<336x16xf32, #tpu.memory_space<vmem>>, vector<16xf32>,
      %slice3A_121 = vector.extract_strided_slice %min3A_104 {offsets = [1], sizes = [1], strides = [1]} : vector<16xi32> to vector<1xi32>
      %squeeze3A_122 = vector.extract %slice3A_121[0] : i32 from vector<1xi32>
      %get3A_123 = arith.index_cast %squeeze3A_122 : i32 to index
      %get3A_124 = arith.constant 0 : index
      %get3A_125 = tpu.vector_load %arg6[%get3A_123, %get3A_124] {strides = array<i32>} : memref<336x16xf32, #tpu.memory_space<vmem>>, vector<16xf32>,
      %mul3A_126 = arith.constant 16 : i32
      %mul3A_127 = arith.muli %while3A_96, %mul3A_126 : i32
      %add3A_128 = arith.constant 1 : i32
      %add3A_129 = arith.addi %mul3A_127, %add3A_128 : i32
      %get3A_130 = arith.constant 0 : i32
      %get3A_131 = arith.index_cast %get3A_130 : i32 to index
      %get3A_132 = arith.index_cast %add3A_129 : i32 to index
      %get3A_133 = arith.constant 0 : index
      %get3A_134 = tpu.vector_load %arg11[%get3A_131, %get3A_132, %get3A_133] {strides = array<i32>} : memref<2x128x128xf32, #tpu.memory_space<vmem>>, vector<16xf32>,
      %max3A_135 = arith.maximumf %get3A_125, %get3A_134 : vector<16xf32>
      %swap3A_136 = arith.index_cast %squeeze3A_122 : i32 to index
      %swap3A_137 = arith.constant 0 : index
      %swap3A_138 = tpu.vector_load %arg6[%swap3A_136, %swap3A_137] {strides = array<i32>} : memref<336x16xf32, #tpu.memory_space<vmem>>, vector<16xf32>,
      tpu.vector_store %arg6[%swap3A_136, %swap3A_137], %max3A_135 {strides = array<i32>} : memref<336x16xf32, #tpu.memory_space<vmem>>, vector<16xf32>,
      %slice3A_139 = vector.extract_strided_slice %min3A_104 {offsets = [2], sizes = [1], strides = [1]} : vector<16xi32> to vector<1xi32>
      %squeeze3A_140 = vector.extract %slice3A_139[0] : i32 from vector<1xi32>
      %get3A_141 = arith.index_cast %squeeze3A_140 : i32 to index
      %get3A_142 = arith.constant 0 : index
      %get3A_143 = tpu.vector_load %arg6[%get3A_141, %get3A_142] {strides = array<i32>} : memref<336x16xf32, #tpu.memory_space<vmem>>, vector<16xf32>,
      %mul3A_144 = arith.constant 16 : i32
      %mul3A_145 = arith.muli %while3A_96, %mul3A_144 : i32
      %add3A_146 = arith.constant 2 : i32
      %add3A_147 = arith.addi %mul3A_145, %add3A_146 : i32
      %get3A_148 = arith.constant 0 : i32
      %get3A_149 = arith.index_cast %get3A_148 : i32 to index
      %get3A_150 = arith.index_cast %add3A_147 : i32 to index
      %get3A_151 = arith.constant 0 : index
      %get3A_152 = tpu.vector_load %arg11[%get3A_149, %get3A_150, %get3A_151] {strides = array<i32>} : memref<2x128x128xf32, #tpu.memory_space<vmem>>, vector<16xf32>,
      %max3A_153 = arith.maximumf %get3A_143, %get3A_152 : vector<16xf32>
      %swap3A_154 = arith.index_cast %squeeze3A_140 : i32 to index
      %swap3A_155 = arith.constant 0 : index
      %swap3A_156 = tpu.vector_load %arg6[%swap3A_154, %swap3A_155] {strides = array<i32>} : memref<336x16xf32, #tpu.memory_space<vmem>>, vector<16xf32>,
      tpu.vector_store %arg6[%swap3A_154, %swap3A_155], %max3A_153 {strides = array<i32>} : memref<336x16xf32, #tpu.memory_space<vmem>>, vector<16xf32>,
      %slice3A_157 = vector.extract_strided_slice %min3A_104 {offsets = [3], sizes = [1], strides = [1]} : vector<16xi32> to vector<1xi32>
      %squeeze3A_158 = vector.extract %slice3A_157[0] : i32 from vector<1xi32>
      %get3A_159 = arith.index_cast %squeeze3A_158 : i32 to index
      %get3A_160 = arith.constant 0 : index
      %get3A_161 = tpu.vector_load %arg6[%get3A_159, %get3A_160] {strides = array<i32>} : memref<336x16xf32, #tpu.memory_space<vmem>>, vector<16xf32>,
      %mul3A_162 = arith.constant 16 : i32
      %mul3A_163 = arith.muli %while3A_96, %mul3A_162 : i32
      %add3A_164 = arith.constant 3 : i32
      %add3A_165 = arith.addi %mul3A_163, %add3A_164 : i32
      %get3A_166 = arith.constant 0 : i32
      %get3A_167 = arith.index_cast %get3A_166 : i32 to index
      %get3A_168 = arith.index_cast %add3A_165 : i32 to index
      %get3A_169 = arith.constant 0 : index
      %get3A_170 = tpu.vector_load %arg11[%get3A_167, %get3A_168, %get3A_169] {strides = array<i32>} : memref<2x128x128xf32, #tpu.memory_space<vmem>>, vector<16xf32>,
      %max3A_171 = arith.maximumf %get3A_161, %get3A_170 : vector<16xf32>
      %swap3A_172 = arith.index_cast %squeeze3A_158 : i32 to index
      %swap3A_173 = arith.constant 0 : index
      %swap3A_174 = tpu.vector_load %arg6[%swap3A_172, %swap3A_173] {strides = array<i32>} : memref<336x16xf32, #tpu.memory_space<vmem>>, vector<16xf32>,
      tpu.vector_store %arg6[%swap3A_172, %swap3A_173], %max3A_171 {strides = array<i32>} : memref<336x16xf32, #tpu.memory_space<vmem>>, vector<16xf32>,
      %slice3A_175 = vector.extract_strided_slice %min3A_104 {offsets = [4], sizes = [1], strides = [1]} : vector<16xi32> to vector<1xi32>
      %squeeze3A_176 = vector.extract %slice3A_175[0] : i32 from vector<1xi32>
      %get3A_177 = arith.index_cast %squeeze3A_176 : i32 to index
      %get3A_178 = arith.constant 0 : index
      %get3A_179 = tpu.vector_load %arg6[%get3A_177, %get3A_178] {strides = array<i32>} : memref<336x16xf32, #tpu.memory_space<vmem>>, vector<16xf32>,
      %mul3A_180 = arith.constant 16 : i32
      %mul3A_181 = arith.muli %while3A_96, %mul3A_180 : i32
      %add3A_182 = arith.constant 4 : i32
      %add3A_183 = arith.addi %mul3A_181, %add3A_182 : i32
      %get3A_184 = arith.constant 0 : i32
      %get3A_185 = arith.index_cast %get3A_184 : i32 to index
      %get3A_186 = arith.index_cast %add3A_183 : i32 to index
      %get3A_187 = arith.constant 0 : index
      %get3A_188 = tpu.vector_load %arg11[%get3A_185, %get3A_186, %get3A_187] {strides = array<i32>} : memref<2x128x128xf32, #tpu.memory_space<vmem>>, vector<16xf32>,
      %max3A_189 = arith.maximumf %get3A_179, %get3A_188 : vector<16xf32>
      %swap3A_190 = arith.index_cast %squeeze3A_176 : i32 to index
      %swap3A_191 = arith.constant 0 : index
      %swap3A_192 = tpu.vector_load %arg6[%swap3A_190, %swap3A_191] {strides = array<i32>} : memref<336x16xf32, #tpu.memory_space<vmem>>, vector<16xf32>,
      tpu.vector_store %arg6[%swap3A_190, %swap3A_191], %max3A_189 {strides = array<i32>} : memref<336x16xf32, #tpu.memory_space<vmem>>, vector<16xf32>,
      %slice3A_193 = vector.extract_strided_slice %min3A_104 {offsets = [5], sizes = [1], strides = [1]} : vector<16xi32> to vector<1xi32>
      %squeeze3A_194 = vector.extract %slice3A_193[0] : i32 from vector<1xi32>
      %get3A_195 = arith.index_cast %squeeze3A_194 : i32 to index
      %get3A_196 = arith.constant 0 : index
      %get3A_197 = tpu.vector_load %arg6[%get3A_195, %get3A_196] {strides = array<i32>} : memref<336x16xf32, #tpu.memory_space<vmem>>, vector<16xf32>,
      %mul3A_198 = arith.constant 16 : i32
      %mul3A_199 = arith.muli %while3A_96, %mul3A_198 : i32
      %add3A_200 = arith.constant 5 : i32
      %add3A_201 = arith.addi %mul3A_199, %add3A_200 : i32
      %get3A_202 = arith.constant 0 : i32
      %get3A_203 = arith.index_cast %get3A_202 : i32 to index
      %get3A_204 = arith.index_cast %add3A_201 : i32 to index
      %get3A_205 = arith.constant 0 : index
      %get3A_206 = tpu.vector_load %arg11[%get3A_203, %get3A_204, %get3A_205] {strides = array<i32>} : memref<2x128x128xf32, #tpu.memory_space<vmem>>, vector<16xf32>,
      %max3A_207 = arith.maximumf %get3A_197, %get3A_206 : vector<16xf32>
      %swap3A_208 = arith.index_cast %squeeze3A_194 : i32 to index
      %swap3A_209 = arith.constant 0 : index
      %swap3A_210 = tpu.vector_load %arg6[%swap3A_208, %swap3A_209] {strides = array<i32>} : memref<336x16xf32, #tpu.memory_space<vmem>>, vector<16xf32>,
      tpu.vector_store %arg6[%swap3A_208, %swap3A_209], %max3A_207 {strides = array<i32>} : memref<336x16xf32, #tpu.memory_space<vmem>>, vector<16xf32>,
      %slice3A_211 = vector.extract_strided_slice %min3A_104 {offsets = [6], sizes = [1], strides = [1]} : vector<16xi32> to vector<1xi32>
      %squeeze3A_212 = vector.extract %slice3A_211[0] : i32 from vector<1xi32>
      %get3A_213 = arith.index_cast %squeeze3A_212 : i32 to index
      %get3A_214 = arith.constant 0 : index
      %get3A_215 = tpu.vector_load %arg6[%get3A_213, %get3A_214] {strides = array<i32>} : memref<336x16xf32, #tpu.memory_space<vmem>>, vector<16xf32>,
      %mul3A_216 = arith.constant 16 : i32
      %mul3A_217 = arith.muli %while3A_96, %mul3A_216 : i32
      %add3A_218 = arith.constant 6 : i32
      %add3A_219 = arith.addi %mul3A_217, %add3A_218 : i32
      %get3A_220 = arith.constant 0 : i32
      %get3A_221 = arith.index_cast %get3A_220 : i32 to index
      %get3A_222 = arith.index_cast %add3A_219 : i32 to index
      %get3A_223 = arith.constant 0 : index
      %get3A_224 = tpu.vector_load %arg11[%get3A_221, %get3A_222, %get3A_223] {strides = array<i32>} : memref<2x128x128xf32, #tpu.memory_space<vmem>>, vector<16xf32>,
      %max3A_225 = arith.maximumf %get3A_215, %get3A_224 : vector<16xf32>
      %swap3A_226 = arith.index_cast %squeeze3A_212 : i32 to index
      %swap3A_227 = arith.constant 0 : index
      %swap3A_228 = tpu.vector_load %arg6[%swap3A_226, %swap3A_227] {strides = array<i32>} : memref<336x16xf32, #tpu.memory_space<vmem>>, vector<16xf32>,
      tpu.vector_store %arg6[%swap3A_226, %swap3A_227], %max3A_225 {strides = array<i32>} : memref<336x16xf32, #tpu.memory_space<vmem>>, vector<16xf32>,
      %slice3A_229 = vector.extract_strided_slice %min3A_104 {offsets = [7], sizes = [1], strides = [1]} : vector<16xi32> to vector<1xi32>
      %squeeze3A_230 = vector.extract %slice3A_229[0] : i32 from vector<1xi32>
      %get3A_231 = arith.index_cast %squeeze3A_230 : i32 to index
      %get3A_232 = arith.constant 0 : index
      %get3A_233 = tpu.vector_load %arg6[%get3A_231, %get3A_232] {strides = array<i32>} : memref<336x16xf32, #tpu.memory_space<vmem>>, vector<16xf32>,
      %mul3A_234 = arith.constant 16 : i32
      %mul3A_235 = arith.muli %while3A_96, %mul3A_234 : i32
      %add3A_236 = arith.constant 7 : i32
      %add3A_237 = arith.addi %mul3A_235, %add3A_236 : i32
      %get3A_238 = arith.constant 0 : i32
      %get3A_239 = arith.index_cast %get3A_238 : i32 to index
      %get3A_240 = arith.index_cast %add3A_237 : i32 to index
      %get3A_241 = arith.constant 0 : index
      %get3A_242 = tpu.vector_load %arg11[%get3A_239, %get3A_240, %get3A_241] {strides = array<i32>} : memref<2x128x128xf32, #tpu.memory_space<vmem>>, vector<16xf32>,
      %max3A_243 = arith.maximumf %get3A_233, %get3A_242 : vector<16xf32>
      %swap3A_244 = arith.index_cast %squeeze3A_230 : i32 to index
      %swap3A_245 = arith.constant 0 : index
      %swap3A_246 = tpu.vector_load %arg6[%swap3A_244, %swap3A_245] {strides = array<i32>} : memref<336x16xf32, #tpu.memory_space<vmem>>, vector<16xf32>,
      tpu.vector_store %arg6[%swap3A_244, %swap3A_245], %max3A_243 {strides = array<i32>} : memref<336x16xf32, #tpu.memory_space<vmem>>, vector<16xf32>,
      %slice3A_247 = vector.extract_strided_slice %min3A_104 {offsets = [8], sizes = [1], strides = [1]} : vector<16xi32> to vector<1xi32>
      %squeeze3A_248 = vector.extract %slice3A_247[0] : i32 from vector<1xi32>
      %get3A_249 = arith.index_cast %squeeze3A_248 : i32 to index
      %get3A_250 = arith.constant 0 : index
      %get3A_251 = tpu.vector_load %arg6[%get3A_249, %get3A_250] {strides = array<i32>} : memref<336x16xf32, #tpu.memory_space<vmem>>, vector<16xf32>,
      %mul3A_252 = arith.constant 16 : i32
      %mul3A_253 = arith.muli %while3A_96, %mul3A_252 : i32
      %add3A_254 = arith.constant 8 : i32
      %add3A_255 = arith.addi %mul3A_253, %add3A_254 : i32
      %get3A_256 = arith.constant 0 : i32
      %get3A_257 = arith.index_cast %get3A_256 : i32 to index
      %get3A_258 = arith.index_cast %add3A_255 : i32 to index
      %get3A_259 = arith.constant 0 : index
      %get3A_260 = tpu.vector_load %arg11[%get3A_257, %get3A_258, %get3A_259] {strides = array<i32>} : memref<2x128x128xf32, #tpu.memory_space<vmem>>, vector<16xf32>,
      %max3A_261 = arith.maximumf %get3A_251, %get3A_260 : vector<16xf32>
      %swap3A_262 = arith.index_cast %squeeze3A_248 : i32 to index
      %swap3A_263 = arith.constant 0 : index
      %swap3A_264 = tpu.vector_load %arg6[%swap3A_262, %swap3A_263] {strides = array<i32>} : memref<336x16xf32, #tpu.memory_space<vmem>>, vector<16xf32>,
      tpu.vector_store %arg6[%swap3A_262, %swap3A_263], %max3A_261 {strides = array<i32>} : memref<336x16xf32, #tpu.memory_space<vmem>>, vector<16xf32>,
      %slice3A_265 = vector.extract_strided_slice %min3A_104 {offsets = [9], sizes = [1], strides = [1]} : vector<16xi32> to vector<1xi32>
      %squeeze3A_266 = vector.extract %slice3A_265[0] : i32 from vector<1xi32>
      %get3A_267 = arith.index_cast %squeeze3A_266 : i32 to index
      %get3A_268 = arith.constant 0 : index
      %get3A_269 = tpu.vector_load %arg6[%get3A_267, %get3A_268] {strides = array<i32>} : memref<336x16xf32, #tpu.memory_space<vmem>>, vector<16xf32>,
      %mul3A_270 = arith.constant 16 : i32
      %mul3A_271 = arith.muli %while3A_96, %mul3A_270 : i32
      %add3A_272 = arith.constant 9 : i32
      %add3A_273 = arith.addi %mul3A_271, %add3A_272 : i32
      %get3A_274 = arith.constant 0 : i32
      %get3A_275 = arith.index_cast %get3A_274 : i32 to index
      %get3A_276 = arith.index_cast %add3A_273 : i32 to index
      %get3A_277 = arith.constant 0 : index
      %get3A_278 = tpu.vector_load %arg11[%get3A_275, %get3A_276, %get3A_277] {strides = array<i32>} : memref<2x128x128xf32, #tpu.memory_space<vmem>>, vector<16xf32>,
      %max3A_279 = arith.maximumf %get3A_269, %get3A_278 : vector<16xf32>
      %swap3A_280 = arith.index_cast %squeeze3A_266 : i32 to index
      %swap3A_281 = arith.constant 0 : index
      %swap3A_282 = tpu.vector_load %arg6[%swap3A_280, %swap3A_281] {strides = array<i32>} : memref<336x16xf32, #tpu.memory_space<vmem>>, vector<16xf32>,
      tpu.vector_store %arg6[%swap3A_280, %swap3A_281], %max3A_279 {strides = array<i32>} : memref<336x16xf32, #tpu.memory_space<vmem>>, vector<16xf32>,
      %slice3A_283 = vector.extract_strided_slice %min3A_104 {offsets = [10], sizes = [1], strides = [1]} : vector<16xi32> to vector<1xi32>
      %squeeze3A_284 = vector.extract %slice3A_283[0] : i32 from vector<1xi32>
      %get3A_285 = arith.index_cast %squeeze3A_284 : i32 to index
      %get3A_286 = arith.constant 0 : index
      %get3A_287 = tpu.vector_load %arg6[%get3A_285, %get3A_286] {strides = array<i32>} : memref<336x16xf32, #tpu.memory_space<vmem>>, vector<16xf32>,
      %mul3A_288 = arith.constant 16 : i32
      %mul3A_289 = arith.muli %while3A_96, %mul3A_288 : i32
      %add3A_290 = arith.constant 10 : i32
      %add3A_291 = arith.addi %mul3A_289, %add3A_290 : i32
      %get3A_292 = arith.constant 0 : i32
      %get3A_293 = arith.index_cast %get3A_292 : i32 to index
      %get3A_294 = arith.index_cast %add3A_291 : i32 to index
      %get3A_295 = arith.constant 0 : index
      %get3A_296 = tpu.vector_load %arg11[%get3A_293, %get3A_294, %get3A_295] {strides = array<i32>} : memref<2x128x128xf32, #tpu.memory_space<vmem>>, vector<16xf32>,
      %max3A_297 = arith.maximumf %get3A_287, %get3A_296 : vector<16xf32>
      %swap3A_298 = arith.index_cast %squeeze3A_284 : i32 to index
      %swap3A_299 = arith.constant 0 : index
      %swap3A_300 = tpu.vector_load %arg6[%swap3A_298, %swap3A_299] {strides = array<i32>} : memref<336x16xf32, #tpu.memory_space<vmem>>, vector<16xf32>,
      tpu.vector_store %arg6[%swap3A_298, %swap3A_299], %max3A_297 {strides = array<i32>} : memref<336x16xf32, #tpu.memory_space<vmem>>, vector<16xf32>,
      %slice3A_301 = vector.extract_strided_slice %min3A_104 {offsets = [11], sizes = [1], strides = [1]} : vector<16xi32> to vector<1xi32>
      %squeeze3A_302 = vector.extract %slice3A_301[0] : i32 from vector<1xi32>
      %get3A_303 = arith.index_cast %squeeze3A_302 : i32 to index
      %get3A_304 = arith.constant 0 : index
      %get3A_305 = tpu.vector_load %arg6[%get3A_303, %get3A_304] {strides = array<i32>} : memref<336x16xf32, #tpu.memory_space<vmem>>, vector<16xf32>,
      %mul3A_306 = arith.constant 16 : i32
      %mul3A_307 = arith.muli %while3A_96, %mul3A_306 : i32
      %add3A_308 = arith.constant 11 : i32
      %add3A_309 = arith.addi %mul3A_307, %add3A_308 : i32
      %get3A_310 = arith.constant 0 : i32
      %get3A_311 = arith.index_cast %get3A_310 : i32 to index
      %get3A_312 = arith.index_cast %add3A_309 : i32 to index
      %get3A_313 = arith.constant 0 : index
      %get3A_314 = tpu.vector_load %arg11[%get3A_311, %get3A_312, %get3A_313] {strides = array<i32>} : memref<2x128x128xf32, #tpu.memory_space<vmem>>, vector<16xf32>,
      %max3A_315 = arith.maximumf %get3A_305, %get3A_314 : vector<16xf32>
      %swap3A_316 = arith.index_cast %squeeze3A_302 : i32 to index
      %swap3A_317 = arith.constant 0 : index
      %swap3A_318 = tpu.vector_load %arg6[%swap3A_316, %swap3A_317] {strides = array<i32>} : memref<336x16xf32, #tpu.memory_space<vmem>>, vector<16xf32>,
      tpu.vector_store %arg6[%swap3A_316, %swap3A_317], %max3A_315 {strides = array<i32>} : memref<336x16xf32, #tpu.memory_space<vmem>>, vector<16xf32>,
      %slice3A_319 = vector.extract_strided_slice %min3A_104 {offsets = [12], sizes = [1], strides = [1]} : vector<16xi32> to vector<1xi32>
      %squeeze3A_320 = vector.extract %slice3A_319[0] : i32 from vector<1xi32>
      %get3A_321 = arith.index_cast %squeeze3A_320 : i32 to index
      %get3A_322 = arith.constant 0 : index
      %get3A_323 = tpu.vector_load %arg6[%get3A_321, %get3A_322] {strides = array<i32>} : memref<336x16xf32, #tpu.memory_space<vmem>>, vector<16xf32>,
      %mul3A_324 = arith.constant 16 : i32
      %mul3A_325 = arith.muli %while3A_96, %mul3A_324 : i32
      %add3A_326 = arith.constant 12 : i32
      %add3A_327 = arith.addi %mul3A_325, %add3A_326 : i32
      %get3A_328 = arith.constant 0 : i32
      %get3A_329 = arith.index_cast %get3A_328 : i32 to index
      %get3A_330 = arith.index_cast %add3A_327 : i32 to index
      %get3A_331 = arith.constant 0 : index
      %get3A_332 = tpu.vector_load %arg11[%get3A_329, %get3A_330, %get3A_331] {strides = array<i32>} : memref<2x128x128xf32, #tpu.memory_space<vmem>>, vector<16xf32>,
      %max3A_333 = arith.maximumf %get3A_323, %get3A_332 : vector<16xf32>
      %swap3A_334 = arith.index_cast %squeeze3A_320 : i32 to index
      %swap3A_335 = arith.constant 0 : index
      %swap3A_336 = tpu.vector_load %arg6[%swap3A_334, %swap3A_335] {strides = array<i32>} : memref<336x16xf32, #tpu.memory_space<vmem>>, vector<16xf32>,
      tpu.vector_store %arg6[%swap3A_334, %swap3A_335], %max3A_333 {strides = array<i32>} : memref<336x16xf32, #tpu.memory_space<vmem>>, vector<16xf32>,
      %slice3A_337 = vector.extract_strided_slice %min3A_104 {offsets = [13], sizes = [1], strides = [1]} : vector<16xi32> to vector<1xi32>
      %squeeze3A_338 = vector.extract %slice3A_337[0] : i32 from vector<1xi32>
      %get3A_339 = arith.index_cast %squeeze3A_338 : i32 to index
      %get3A_340 = arith.constant 0 : index
      %get3A_341 = tpu.vector_load %arg6[%get3A_339, %get3A_340] {strides = array<i32>} : memref<336x16xf32, #tpu.memory_space<vmem>>, vector<16xf32>,
      %mul3A_342 = arith.constant 16 : i32
      %mul3A_343 = arith.muli %while3A_96, %mul3A_342 : i32
      %add3A_344 = arith.constant 13 : i32
      %add3A_345 = arith.addi %mul3A_343, %add3A_344 : i32
      %get3A_346 = arith.constant 0 : i32
      %get3A_347 = arith.index_cast %get3A_346 : i32 to index
      %get3A_348 = arith.index_cast %add3A_345 : i32 to index
      %get3A_349 = arith.constant 0 : index
      %get3A_350 = tpu.vector_load %arg11[%get3A_347, %get3A_348, %get3A_349] {strides = array<i32>} : memref<2x128x128xf32, #tpu.memory_space<vmem>>, vector<16xf32>,
      %max3A_351 = arith.maximumf %get3A_341, %get3A_350 : vector<16xf32>
      %swap3A_352 = arith.index_cast %squeeze3A_338 : i32 to index
      %swap3A_353 = arith.constant 0 : index
      %swap3A_354 = tpu.vector_load %arg6[%swap3A_352, %swap3A_353] {strides = array<i32>} : memref<336x16xf32, #tpu.memory_space<vmem>>, vector<16xf32>,
      tpu.vector_store %arg6[%swap3A_352, %swap3A_353], %max3A_351 {strides = array<i32>} : memref<336x16xf32, #tpu.memory_space<vmem>>, vector<16xf32>,
      %slice3A_355 = vector.extract_strided_slice %min3A_104 {offsets = [14], sizes = [1], strides = [1]} : vector<16xi32> to vector<1xi32>
      %squeeze3A_356 = vector.extract %slice3A_355[0] : i32 from vector<1xi32>
      %get3A_357 = arith.index_cast %squeeze3A_356 : i32 to index
      %get3A_358 = arith.constant 0 : index
      %get3A_359 = tpu.vector_load %arg6[%get3A_357, %get3A_358] {strides = array<i32>} : memref<336x16xf32, #tpu.memory_space<vmem>>, vector<16xf32>,
      %mul3A_360 = arith.constant 16 : i32
      %mul3A_361 = arith.muli %while3A_96, %mul3A_360 : i32
      %add3A_362 = arith.constant 14 : i32
      %add3A_363 = arith.addi %mul3A_361, %add3A_362 : i32
      %get3A_364 = arith.constant 0 : i32
      %get3A_365 = arith.index_cast %get3A_364 : i32 to index
      %get3A_366 = arith.index_cast %add3A_363 : i32 to index
      %get3A_367 = arith.constant 0 : index
      %get3A_368 = tpu.vector_load %arg11[%get3A_365, %get3A_366, %get3A_367] {strides = array<i32>} : memref<2x128x128xf32, #tpu.memory_space<vmem>>, vector<16xf32>,
      %max3A_369 = arith.maximumf %get3A_359, %get3A_368 : vector<16xf32>
      %swap3A_370 = arith.index_cast %squeeze3A_356 : i32 to index
      %swap3A_371 = arith.constant 0 : index
      %swap3A_372 = tpu.vector_load %arg6[%swap3A_370, %swap3A_371] {strides = array<i32>} : memref<336x16xf32, #tpu.memory_space<vmem>>, vector<16xf32>,
      tpu.vector_store %arg6[%swap3A_370, %swap3A_371], %max3A_369 {strides = array<i32>} : memref<336x16xf32, #tpu.memory_space<vmem>>, vector<16xf32>,
      %slice3A_373 = vector.extract_strided_slice %min3A_104 {offsets = [15], sizes = [1], strides = [1]} : vector<16xi32> to vector<1xi32>
      %squeeze3A_374 = vector.extract %slice3A_373[0] : i32 from vector<1xi32>
      %get3A_375 = arith.index_cast %squeeze3A_374 : i32 to index
      %get3A_376 = arith.constant 0 : index
      %get3A_377 = tpu.vector_load %arg6[%get3A_375, %get3A_376] {strides = array<i32>} : memref<336x16xf32, #tpu.memory_space<vmem>>, vector<16xf32>,
      %mul3A_378 = arith.constant 16 : i32
      %mul3A_379 = arith.muli %while3A_96, %mul3A_378 : i32
      %add3A_380 = arith.constant 15 : i32
      %add3A_381 = arith.addi %mul3A_379, %add3A_380 : i32
      %get3A_382 = arith.constant 0 : i32
      %get3A_383 = arith.index_cast %get3A_382 : i32 to index
      %get3A_384 = arith.index_cast %add3A_381 : i32 to index
      %get3A_385 = arith.constant 0 : index
      %get3A_386 = tpu.vector_load %arg11[%get3A_383, %get3A_384, %get3A_385] {strides = array<i32>} : memref<2x128x128xf32, #tpu.memory_space<vmem>>, vector<16xf32>,
      %max3A_387 = arith.maximumf %get3A_377, %get3A_386 : vector<16xf32>
      %swap3A_388 = arith.index_cast %squeeze3A_374 : i32 to index
      %swap3A_389 = arith.constant 0 : index
      %swap3A_390 = tpu.vector_load %arg6[%swap3A_388, %swap3A_389] {strides = array<i32>} : memref<336x16xf32, #tpu.memory_space<vmem>>, vector<16xf32>,
      tpu.vector_store %arg6[%swap3A_388, %swap3A_389], %max3A_387 {strides = array<i32>} : memref<336x16xf32, #tpu.memory_space<vmem>>, vector<16xf32>,
      %while3A_391 = arith.constant 0 : i32
      scf.yield %while3A_391 : i32
    }
    %while3A_94 = arith.constant 1 : i32
    %while3A_95 = scf.for %while3A_96 = %while3A_91 to %while3A_87 step %while3A_94 iter_args(%while3A_97 = %while3A_93) -> (i32)  : i32 {
      %mul3A_98 = arith.constant 16 : i32
      %mul3A_99 = arith.muli %while3A_96, %mul3A_98 : i32
      %get3A = arith.index_cast %mul3A_99 : i32 to index
      %get3A_100 = tpu.vector_load %arg10[%get3A] {strides = array<i32>} : memref<3360xi32, #tpu.memory_space<vmem>>, vector<16xi32>,
      %max3A = arith.constant 0 : i32
      %max3A_101 = vector.broadcast %max3A : i32 to vector<16xi32>
      %max3A_102 = arith.maxsi %get3A_100, %max3A_101 : vector<16xi32>
      %min3A = arith.constant 320 : i32
      %min3A_103 = vector.broadcast %min3A : i32 to vector<16xi32>
      %min3A_104 = arith.minsi %max3A_102, %min3A_103 : vector<16xi32>
      %slice3A = vector.extract_strided_slice %min3A_104 {offsets = [0], sizes = [1], strides = [1]} : vector<16xi32> to vector<1xi32>
      %squeeze3A = vector.extract %slice3A[0] : i32 from vector<1xi32>
      %get3A_105 = arith.index_cast %squeeze3A : i32 to index
      %get3A_106 = arith.constant 0 : index
      %get3A_107 = tpu.vector_load %arg6[%get3A_105, %get3A_106] {strides = array<i32>} : memref<336x16xf32, #tpu.memory_space<vmem>>, vector<16xf32>,
      %mul3A_108 = arith.constant 16 : i32
      %mul3A_109 = arith.muli %while3A_96, %mul3A_108 : i32
      %add3A_110 = arith.constant 0 : i32
      %add3A_111 = arith.addi %mul3A_109, %add3A_110 : i32
      %get3A_112 = arith.constant 0 : i32
      %get3A_113 = arith.index_cast %get3A_112 : i32 to index
      %get3A_114 = arith.index_cast %add3A_111 : i32 to index
      %get3A_115 = arith.constant 0 : index
      %get3A_116 = tpu.vector_load %arg11[%get3A_113, %get3A_114, %get3A_115] {strides = array<i32>} : memref<2x128x128xf32, #tpu.memory_space<vmem>>, vector<16xf32>,
      %max3A_117 = arith.maximumf %get3A_107, %get3A_116 : vector<16xf32>
      %swap3A_118 = arith.index_cast %squeeze3A : i32 to index
      %swap3A_119 = arith.constant 0 : index
      %swap3A_120 = tpu.vector_load %arg6[%swap3A_118, %swap3A_119] {strides = array<i32>} : memref<336x16xf32, #tpu.memory_space<vmem>>, vector<16xf32>,
      tpu.vector_store %arg6[%swap3A_118, %swap3A_119], %max3A_117 {strides = array<i32>} : memref<336x16xf32, #tpu.memory_space<vmem>>, vector<16xf32>,
      %slice3A_121 = vector.extract_strided_slice %min3A_104 {offsets = [1], sizes = [1], strides = [1]} : vector<16xi32> to vector<1xi32>
      %squeeze3A_122 = vector.extract %slice3A_121[0] : i32 from vector<1xi32>
      %get3A_123 = arith.index_cast %squeeze3A_122 : i32 to index
      %get3A_124 = arith.constant 0 : index
      %get3A_125 = tpu.vector_load %arg6[%get3A_123, %get3A_124] {strides = array<i32>} : memref<336x16xf32, #tpu.memory_space<vmem>>, vector<16xf32>,
      %mul3A_126 = arith.constant 16 : i32
      %mul3A_127 = arith.muli %while3A_96, %mul3A_126 : i32
      %add3A_128 = arith.constant 1 : i32
      %add3A_129 = arith.addi %mul3A_127, %add3A_128 : i32
      %get3A_130 = arith.constant 0 : i32
      %get3A_131 = arith.index_cast %get3A_130 : i32 to index
      %get3A_132 = arith.index_cast %add3A_129 : i32 to index
      %get3A_133 = arith.constant 0 : index
      %get3A_134 = tpu.vector_load %arg11[%get3A_131, %get3A_132, %get3A_133] {strides = array<i32>} : memref<2x128x128xf32, #tpu.memory_space<vmem>>, vector<16xf32>,
      %max3A_135 = arith.maximumf %get3A_125, %get3A_134 : vector<16xf32>
      %swap3A_136 = arith.index_cast %squeeze3A_122 : i32 to index
      %swap3A_137 = arith.constant 0 : index
      %swap3A_138 = tpu.vector_load %arg6[%swap3A_136, %swap3A_137] {strides = array<i32>} : memref<336x16xf32, #tpu.memory_space<vmem>>, vector<16xf32>,
      tpu.vector_store %arg6[%swap3A_136, %swap3A_137], %max3A_135 {strides = array<i32>} : memref<336x16xf32, #tpu.memory_space<vmem>>, vector<16xf32>,
      %slice3A_139 = vector.extract_strided_slice %min3A_104 {offsets = [2], sizes = [1], strides = [1]} : vector<16xi32> to vector<1xi32>
      %squeeze3A_140 = vector.extract %slice3A_139[0] : i32 from vector<1xi32>
      %get3A_141 = arith.index_cast %squeeze3A_140 : i32 to index
      %get3A_142 = arith.constant 0 : index
      %get3A_143 = tpu.vector_load %arg6[%get3A_141, %get3A_142] {strides = array<i32>} : memref<336x16xf32, #tpu.memory_space<vmem>>, vector<16xf32>,
      %mul3A_144 = arith.constant 16 : i32
      %mul3A_145 = arith.muli %while3A_96, %mul3A_144 : i32
      %add3A_146 = arith.constant 2 : i32
      %add3A_147 = arith.addi %mul3A_145, %add3A_146 : i32
      %get3A_148 = arith.constant 0 : i32
      %get3A_149 = arith.index_cast %get3A_148 : i32 to index
      %get3A_150 = arith.index_cast %add3A_147 : i32 to index
      %get3A_151 = arith.constant 0 : index
      %get3A_152 = tpu.vector_load %arg11[%get3A_149, %get3A_150, %get3A_151] {strides = array<i32>} : memref<2x128x128xf32, #tpu.memory_space<vmem>>, vector<16xf32>,
      %max3A_153 = arith.maximumf %get3A_143, %get3A_152 : vector<16xf32>
      %swap3A_154 = arith.index_cast %squeeze3A_140 : i32 to index
      %swap3A_155 = arith.constant 0 : index
      %swap3A_156 = tpu.vector_load %arg6[%swap3A_154, %swap3A_155] {strides = array<i32>} : memref<336x16xf32, #tpu.memory_space<vmem>>, vector<16xf32>,
      tpu.vector_store %arg6[%swap3A_154, %swap3A_155], %max3A_153 {strides = array<i32>} : memref<336x16xf32, #tpu.memory_space<vmem>>, vector<16xf32>,
      %slice3A_157 = vector.extract_strided_slice %min3A_104 {offsets = [3], sizes = [1], strides = [1]} : vector<16xi32> to vector<1xi32>
      %squeeze3A_158 = vector.extract %slice3A_157[0] : i32 from vector<1xi32>
      %get3A_159 = arith.index_cast %squeeze3A_158 : i32 to index
      %get3A_160 = arith.constant 0 : index
      %get3A_161 = tpu.vector_load %arg6[%get3A_159, %get3A_160] {strides = array<i32>} : memref<336x16xf32, #tpu.memory_space<vmem>>, vector<16xf32>,
      %mul3A_162 = arith.constant 16 : i32
      %mul3A_163 = arith.muli %while3A_96, %mul3A_162 : i32
      %add3A_164 = arith.constant 3 : i32
      %add3A_165 = arith.addi %mul3A_163, %add3A_164 : i32
      %get3A_166 = arith.constant 0 : i32
      %get3A_167 = arith.index_cast %get3A_166 : i32 to index
      %get3A_168 = arith.index_cast %add3A_165 : i32 to index
      %get3A_169 = arith.constant 0 : index
      %get3A_170 = tpu.vector_load %arg11[%get3A_167, %get3A_168, %get3A_169] {strides = array<i32>} : memref<2x128x128xf32, #tpu.memory_space<vmem>>, vector<16xf32>,
      %max3A_171 = arith.maximumf %get3A_161, %get3A_170 : vector<16xf32>
      %swap3A_172 = arith.index_cast %squeeze3A_158 : i32 to index
      %swap3A_173 = arith.constant 0 : index
      %swap3A_174 = tpu.vector_load %arg6[%swap3A_172, %swap3A_173] {strides = array<i32>} : memref<336x16xf32, #tpu.memory_space<vmem>>, vector<16xf32>,
      tpu.vector_store %arg6[%swap3A_172, %swap3A_173], %max3A_171 {strides = array<i32>} : memref<336x16xf32, #tpu.memory_space<vmem>>, vector<16xf32>,
      %slice3A_175 = vector.extract_strided_slice %min3A_104 {offsets = [4], sizes = [1], strides = [1]} : vector<16xi32> to vector<1xi32>
      %squeeze3A_176 = vector.extract %slice3A_175[0] : i32 from vector<1xi32>
      %get3A_177 = arith.index_cast %squeeze3A_176 : i32 to index
      %get3A_178 = arith.constant 0 : index
      %get3A_179 = tpu.vector_load %arg6[%get3A_177, %get3A_178] {strides = array<i32>} : memref<336x16xf32, #tpu.memory_space<vmem>>, vector<16xf32>,
      %mul3A_180 = arith.constant 16 : i32
      %mul3A_181 = arith.muli %while3A_96, %mul3A_180 : i32
      %add3A_182 = arith.constant 4 : i32
      %add3A_183 = arith.addi %mul3A_181, %add3A_182 : i32
      %get3A_184 = arith.constant 0 : i32
      %get3A_185 = arith.index_cast %get3A_184 : i32 to index
      %get3A_186 = arith.index_cast %add3A_183 : i32 to index
      %get3A_187 = arith.constant 0 : index
      %get3A_188 = tpu.vector_load %arg11[%get3A_185, %get3A_186, %get3A_187] {strides = array<i32>} : memref<2x128x128xf32, #tpu.memory_space<vmem>>, vector<16xf32>,
      %max3A_189 = arith.maximumf %get3A_179, %get3A_188 : vector<16xf32>
      %swap3A_190 = arith.index_cast %squeeze3A_176 : i32 to index
      %swap3A_191 = arith.constant 0 : index
      %swap3A_192 = tpu.vector_load %arg6[%swap3A_190, %swap3A_191] {strides = array<i32>} : memref<336x16xf32, #tpu.memory_space<vmem>>, vector<16xf32>,
      tpu.vector_store %arg6[%swap3A_190, %swap3A_191], %max3A_189 {strides = array<i32>} : memref<336x16xf32, #tpu.memory_space<vmem>>, vector<16xf32>,
      %slice3A_193 = vector.extract_strided_slice %min3A_104 {offsets = [5], sizes = [1], strides = [1]} : vector<16xi32> to vector<1xi32>
      %squeeze3A_194 = vector.extract %slice3A_193[0] : i32 from vector<1xi32>
      %get3A_195 = arith.index_cast %squeeze3A_194 : i32 to index
      %get3A_196 = arith.constant 0 : index
      %get3A_197 = tpu.vector_load %arg6[%get3A_195, %get3A_196] {strides = array<i32>} : memref<336x16xf32, #tpu.memory_space<vmem>>, vector<16xf32>,
      %mul3A_198 = arith.constant 16 : i32
      %mul3A_199 = arith.muli %while3A_96, %mul3A_198 : i32
      %add3A_200 = arith.constant 5 : i32
      %add3A_201 = arith.addi %mul3A_199, %add3A_200 : i32
      %get3A_202 = arith.constant 0 : i32
      %get3A_203 = arith.index_cast %get3A_202 : i32 to index
      %get3A_204 = arith.index_cast %add3A_201 : i32 to index
      %get3A_205 = arith.constant 0 : index
      %get3A_206 = tpu.vector_load %arg11[%get3A_203, %get3A_204, %get3A_205] {strides = array<i32>} : memref<2x128x128xf32, #tpu.memory_space<vmem>>, vector<16xf32>,
      %max3A_207 = arith.maximumf %get3A_197, %get3A_206 : vector<16xf32>
      %swap3A_208 = arith.index_cast %squeeze3A_194 : i32 to index
      %swap3A_209 = arith.constant 0 : index
      %swap3A_210 = tpu.vector_load %arg6[%swap3A_208, %swap3A_209] {strides = array<i32>} : memref<336x16xf32, #tpu.memory_space<vmem>>, vector<16xf32>,
      tpu.vector_store %arg6[%swap3A_208, %swap3A_209], %max3A_207 {strides = array<i32>} : memref<336x16xf32, #tpu.memory_space<vmem>>, vector<16xf32>,
      %slice3A_211 = vector.extract_strided_slice %min3A_104 {offsets = [6], sizes = [1], strides = [1]} : vector<16xi32> to vector<1xi32>
      %squeeze3A_212 = vector.extract %slice3A_211[0] : i32 from vector<1xi32>
      %get3A_213 = arith.index_cast %squeeze3A_212 : i32 to index
      %get3A_214 = arith.constant 0 : index
      %get3A_215 = tpu.vector_load %arg6[%get3A_213, %get3A_214] {strides = array<i32>} : memref<336x16xf32, #tpu.memory_space<vmem>>, vector<16xf32>,
      %mul3A_216 = arith.constant 16 : i32
      %mul3A_217 = arith.muli %while3A_96, %mul3A_216 : i32
      %add3A_218 = arith.constant 6 : i32
      %add3A_219 = arith.addi %mul3A_217, %add3A_218 : i32
      %get3A_220 = arith.constant 0 : i32
      %get3A_221 = arith.index_cast %get3A_220 : i32 to index
      %get3A_222 = arith.index_cast %add3A_219 : i32 to index
      %get3A_223 = arith.constant 0 : index
      %get3A_224 = tpu.vector_load %arg11[%get3A_221, %get3A_222, %get3A_223] {strides = array<i32>} : memref<2x128x128xf32, #tpu.memory_space<vmem>>, vector<16xf32>,
      %max3A_225 = arith.maximumf %get3A_215, %get3A_224 : vector<16xf32>
      %swap3A_226 = arith.index_cast %squeeze3A_212 : i32 to index
      %swap3A_227 = arith.constant 0 : index
      %swap3A_228 = tpu.vector_load %arg6[%swap3A_226, %swap3A_227] {strides = array<i32>} : memref<336x16xf32, #tpu.memory_space<vmem>>, vector<16xf32>,
      tpu.vector_store %arg6[%swap3A_226, %swap3A_227], %max3A_225 {strides = array<i32>} : memref<336x16xf32, #tpu.memory_space<vmem>>, vector<16xf32>,
      %slice3A_229 = vector.extract_strided_slice %min3A_104 {offsets = [7], sizes = [1], strides = [1]} : vector<16xi32> to vector<1xi32>
      %squeeze3A_230 = vector.extract %slice3A_229[0] : i32 from vector<1xi32>
      %get3A_231 = arith.index_cast %squeeze3A_230 : i32 to index
      %get3A_232 = arith.constant 0 : index
      %get3A_233 = tpu.vector_load %arg6[%get3A_231, %get3A_232] {strides = array<i32>} : memref<336x16xf32, #tpu.memory_space<vmem>>, vector<16xf32>,
      %mul3A_234 = arith.constant 16 : i32
      %mul3A_235 = arith.muli %while3A_96, %mul3A_234 : i32
      %add3A_236 = arith.constant 7 : i32
      %add3A_237 = arith.addi %mul3A_235, %add3A_236 : i32
      %get3A_238 = arith.constant 0 : i32
      %get3A_239 = arith.index_cast %get3A_238 : i32 to index
      %get3A_240 = arith.index_cast %add3A_237 : i32 to index
      %get3A_241 = arith.constant 0 : index
      %get3A_242 = tpu.vector_load %arg11[%get3A_239, %get3A_240, %get3A_241] {strides = array<i32>} : memref<2x128x128xf32, #tpu.memory_space<vmem>>, vector<16xf32>,
      %max3A_243 = arith.maximumf %get3A_233, %get3A_242 : vector<16xf32>
      %swap3A_244 = arith.index_cast %squeeze3A_230 : i32 to index
      %swap3A_245 = arith.constant 0 : index
      %swap3A_246 = tpu.vector_load %arg6[%swap3A_244, %swap3A_245] {strides = array<i32>} : memref<336x16xf32, #tpu.memory_space<vmem>>, vector<16xf32>,
      tpu.vector_store %arg6[%swap3A_244, %swap3A_245], %max3A_243 {strides = array<i32>} : memref<336x16xf32, #tpu.memory_space<vmem>>, vector<16xf32>,
      %slice3A_247 = vector.extract_strided_slice %min3A_104 {offsets = [8], sizes = [1], strides = [1]} : vector<16xi32> to vector<1xi32>
      %squeeze3A_248 = vector.extract %slice3A_247[0] : i32 from vector<1xi32>
      %get3A_249 = arith.index_cast %squeeze3A_248 : i32 to index
      %get3A_250 = arith.constant 0 : index
      %get3A_251 = tpu.vector_load %arg6[%get3A_249, %get3A_250] {strides = array<i32>} : memref<336x16xf32, #tpu.memory_space<vmem>>, vector<16xf32>,
      %mul3A_252 = arith.constant 16 : i32
      %mul3A_253 = arith.muli %while3A_96, %mul3A_252 : i32
      %add3A_254 = arith.constant 8 : i32
      %add3A_255 = arith.addi %mul3A_253, %add3A_254 : i32
      %get3A_256 = arith.constant 0 : i32
      %get3A_257 = arith.index_cast %get3A_256 : i32 to index
      %get3A_258 = arith.index_cast %add3A_255 : i32 to index
      %get3A_259 = arith.constant 0 : index
      %get3A_260 = tpu.vector_load %arg11[%get3A_257, %get3A_258, %get3A_259] {strides = array<i32>} : memref<2x128x128xf32, #tpu.memory_space<vmem>>, vector<16xf32>,
      %max3A_261 = arith.maximumf %get3A_251, %get3A_260 : vector<16xf32>
      %swap3A_262 = arith.index_cast %squeeze3A_248 : i32 to index
      %swap3A_263 = arith.constant 0 : index
      %swap3A_264 = tpu.vector_load %arg6[%swap3A_262, %swap3A_263] {strides = array<i32>} : memref<336x16xf32, #tpu.memory_space<vmem>>, vector<16xf32>,
      tpu.vector_store %arg6[%swap3A_262, %swap3A_263], %max3A_261 {strides = array<i32>} : memref<336x16xf32, #tpu.memory_space<vmem>>, vector<16xf32>,
      %slice3A_265 = vector.extract_strided_slice %min3A_104 {offsets = [9], sizes = [1], strides = [1]} : vector<16xi32> to vector<1xi32>
      %squeeze3A_266 = vector.extract %slice3A_265[0] : i32 from vector<1xi32>
      %get3A_267 = arith.index_cast %squeeze3A_266 : i32 to index
      %get3A_268 = arith.constant 0 : index
      %get3A_269 = tpu.vector_load %arg6[%get3A_267, %get3A_268] {strides = array<i32>} : memref<336x16xf32, #tpu.memory_space<vmem>>, vector<16xf32>,
      %mul3A_270 = arith.constant 16 : i32
      %mul3A_271 = arith.muli %while3A_96, %mul3A_270 : i32
      %add3A_272 = arith.constant 9 : i32
      %add3A_273 = arith.addi %mul3A_271, %add3A_272 : i32
      %get3A_274 = arith.constant 0 : i32
      %get3A_275 = arith.index_cast %get3A_274 : i32 to index
      %get3A_276 = arith.index_cast %add3A_273 : i32 to index
      %get3A_277 = arith.constant 0 : index
      %get3A_278 = tpu.vector_load %arg11[%get3A_275, %get3A_276, %get3A_277] {strides = array<i32>} : memref<2x128x128xf32, #tpu.memory_space<vmem>>, vector<16xf32>,
      %max3A_279 = arith.maximumf %get3A_269, %get3A_278 : vector<16xf32>
      %swap3A_280 = arith.index_cast %squeeze3A_266 : i32 to index
      %swap3A_281 = arith.constant 0 : index
      %swap3A_282 = tpu.vector_load %arg6[%swap3A_280, %swap3A_281] {strides = array<i32>} : memref<336x16xf32, #tpu.memory_space<vmem>>, vector<16xf32>,
      tpu.vector_store %arg6[%swap3A_280, %swap3A_281], %max3A_279 {strides = array<i32>} : memref<336x16xf32, #tpu.memory_space<vmem>>, vector<16xf32>,
      %slice3A_283 = vector.extract_strided_slice %min3A_104 {offsets = [10], sizes = [1], strides = [1]} : vector<16xi32> to vector<1xi32>
      %squeeze3A_284 = vector.extract %slice3A_283[0] : i32 from vector<1xi32>
      %get3A_285 = arith.index_cast %squeeze3A_284 : i32 to index
      %get3A_286 = arith.constant 0 : index
      %get3A_287 = tpu.vector_load %arg6[%get3A_285, %get3A_286] {strides = array<i32>} : memref<336x16xf32, #tpu.memory_space<vmem>>, vector<16xf32>,
      %mul3A_288 = arith.constant 16 : i32
      %mul3A_289 = arith.muli %while3A_96, %mul3A_288 : i32
      %add3A_290 = arith.constant 10 : i32
      %add3A_291 = arith.addi %mul3A_289, %add3A_290 : i32
      %get3A_292 = arith.constant 0 : i32
      %get3A_293 = arith.index_cast %get3A_292 : i32 to index
      %get3A_294 = arith.index_cast %add3A_291 : i32 to index
      %get3A_295 = arith.constant 0 : index
      %get3A_296 = tpu.vector_load %arg11[%get3A_293, %get3A_294, %get3A_295] {strides = array<i32>} : memref<2x128x128xf32, #tpu.memory_space<vmem>>, vector<16xf32>,
      %max3A_297 = arith.maximumf %get3A_287, %get3A_296 : vector<16xf32>
      %swap3A_298 = arith.index_cast %squeeze3A_284 : i32 to index
      %swap3A_299 = arith.constant 0 : index
      %swap3A_300 = tpu.vector_load %arg6[%swap3A_298, %swap3A_299] {strides = array<i32>} : memref<336x16xf32, #tpu.memory_space<vmem>>, vector<16xf32>,
      tpu.vector_store %arg6[%swap3A_298, %swap3A_299], %max3A_297 {strides = array<i32>} : memref<336x16xf32, #tpu.memory_space<vmem>>, vector<16xf32>,
      %slice3A_301 = vector.extract_strided_slice %min3A_104 {offsets = [11], sizes = [1], strides = [1]} : vector<16xi32> to vector<1xi32>
      %squeeze3A_302 = vector.extract %slice3A_301[0] : i32 from vector<1xi32>
      %get3A_303 = arith.index_cast %squeeze3A_302 : i32 to index
      %get3A_304 = arith.constant 0 : index
      %get3A_305 = tpu.vector_load %arg6[%get3A_303, %get3A_304] {strides = array<i32>} : memref<336x16xf32, #tpu.memory_space<vmem>>, vector<16xf32>,
      %mul3A_306 = arith.constant 16 : i32
      %mul3A_307 = arith.muli %while3A_96, %mul3A_306 : i32
      %add3A_308 = arith.constant 11 : i32
      %add3A_309 = arith.addi %mul3A_307, %add3A_308 : i32
      %get3A_310 = arith.constant 0 : i32
      %get3A_311 = arith.index_cast %get3A_310 : i32 to index
      %get3A_312 = arith.index_cast %add3A_309 : i32 to index
      %get3A_313 = arith.constant 0 : index
      %get3A_314 = tpu.vector_load %arg11[%get3A_311, %get3A_312, %get3A_313] {strides = array<i32>} : memref<2x128x128xf32, #tpu.memory_space<vmem>>, vector<16xf32>,
      %max3A_315 = arith.maximumf %get3A_305, %get3A_314 : vector<16xf32>
      %swap3A_316 = arith.index_cast %squeeze3A_302 : i32 to index
      %swap3A_317 = arith.constant 0 : index
      %swap3A_318 = tpu.vector_load %arg6[%swap3A_316, %swap3A_317] {strides = array<i32>} : memref<336x16xf32, #tpu.memory_space<vmem>>, vector<16xf32>,
      tpu.vector_store %arg6[%swap3A_316, %swap3A_317], %max3A_315 {strides = array<i32>} : memref<336x16xf32, #tpu.memory_space<vmem>>, vector<16xf32>,
      %slice3A_319 = vector.extract_strided_slice %min3A_104 {offsets = [12], sizes = [1], strides = [1]} : vector<16xi32> to vector<1xi32>
      %squeeze3A_320 = vector.extract %slice3A_319[0] : i32 from vector<1xi32>
      %get3A_321 = arith.index_cast %squeeze3A_320 : i32 to index
      %get3A_322 = arith.constant 0 : index
      %get3A_323 = tpu.vector_load %arg6[%get3A_321, %get3A_322] {strides = array<i32>} : memref<336x16xf32, #tpu.memory_space<vmem>>, vector<16xf32>,
      %mul3A_324 = arith.constant 16 : i32
      %mul3A_325 = arith.muli %while3A_96, %mul3A_324 : i32
      %add3A_326 = arith.constant 12 : i32
      %add3A_327 = arith.addi %mul3A_325, %add3A_326 : i32
      %get3A_328 = arith.constant 0 : i32
      %get3A_329 = arith.index_cast %get3A_328 : i32 to index
      %get3A_330 = arith.index_cast %add3A_327 : i32 to index
      %get3A_331 = arith.constant 0 : index
      %get3A_332 = tpu.vector_load %arg11[%get3A_329, %get3A_330, %get3A_331] {strides = array<i32>} : memref<2x128x128xf32, #tpu.memory_space<vmem>>, vector<16xf32>,
      %max3A_333 = arith.maximumf %get3A_323, %get3A_332 : vector<16xf32>
      %swap3A_334 = arith.index_cast %squeeze3A_320 : i32 to index
      %swap3A_335 = arith.constant 0 : index
      %swap3A_336 = tpu.vector_load %arg6[%swap3A_334, %swap3A_335] {strides = array<i32>} : memref<336x16xf32, #tpu.memory_space<vmem>>, vector<16xf32>,
      tpu.vector_store %arg6[%swap3A_334, %swap3A_335], %max3A_333 {strides = array<i32>} : memref<336x16xf32, #tpu.memory_space<vmem>>, vector<16xf32>,
      %slice3A_337 = vector.extract_strided_slice %min3A_104 {offsets = [13], sizes = [1], strides = [1]} : vector<16xi32> to vector<1xi32>
      %squeeze3A_338 = vector.extract %slice3A_337[0] : i32 from vector<1xi32>
      %get3A_339 = arith.index_cast %squeeze3A_338 : i32 to index
      %get3A_340 = arith.constant 0 : index
      %get3A_341 = tpu.vector_load %arg6[%get3A_339, %get3A_340] {strides = array<i32>} : memref<336x16xf32, #tpu.memory_space<vmem>>, vector<16xf32>,
      %mul3A_342 = arith.constant 16 : i32
      %mul3A_343 = arith.muli %while3A_96, %mul3A_342 : i32
      %add3A_344 = arith.constant 13 : i32
      %add3A_345 = arith.addi %mul3A_343, %add3A_344 : i32
      %get3A_346 = arith.constant 0 : i32
      %get3A_347 = arith.index_cast %get3A_346 : i32 to index
      %get3A_348 = arith.index_cast %add3A_345 : i32 to index
      %get3A_349 = arith.constant 0 : index
      %get3A_350 = tpu.vector_load %arg11[%get3A_347, %get3A_348, %get3A_349] {strides = array<i32>} : memref<2x128x128xf32, #tpu.memory_space<vmem>>, vector<16xf32>,
      %max3A_351 = arith.maximumf %get3A_341, %get3A_350 : vector<16xf32>
      %swap3A_352 = arith.index_cast %squeeze3A_338 : i32 to index
      %swap3A_353 = arith.constant 0 : index
      %swap3A_354 = tpu.vector_load %arg6[%swap3A_352, %swap3A_353] {strides = array<i32>} : memref<336x16xf32, #tpu.memory_space<vmem>>, vector<16xf32>,
      tpu.vector_store %arg6[%swap3A_352, %swap3A_353], %max3A_351 {strides = array<i32>} : memref<336x16xf32, #tpu.memory_space<vmem>>, vector<16xf32>,
      %slice3A_355 = vector.extract_strided_slice %min3A_104 {offsets = [14], sizes = [1], strides = [1]} : vector<16xi32> to vector<1xi32>
      %squeeze3A_356 = vector.extract %slice3A_355[0] : i32 from vector<1xi32>
      %get3A_357 = arith.index_cast %squeeze3A_356 : i32 to index
      %get3A_358 = arith.constant 0 : index
      %get3A_359 = tpu.vector_load %arg6[%get3A_357, %get3A_358] {strides = array<i32>} : memref<336x16xf32, #tpu.memory_space<vmem>>, vector<16xf32>,
      %mul3A_360 = arith.constant 16 : i32
      %mul3A_361 = arith.muli %while3A_96, %mul3A_360 : i32
      %add3A_362 = arith.constant 14 : i32
      %add3A_363 = arith.addi %mul3A_361, %add3A_362 : i32
      %get3A_364 = arith.constant 0 : i32
      %get3A_365 = arith.index_cast %get3A_364 : i32 to index
      %get3A_366 = arith.index_cast %add3A_363 : i32 to index
      %get3A_367 = arith.constant 0 : index
      %get3A_368 = tpu.vector_load %arg11[%get3A_365, %get3A_366, %get3A_367] {strides = array<i32>} : memref<2x128x128xf32, #tpu.memory_space<vmem>>, vector<16xf32>,
      %max3A_369 = arith.maximumf %get3A_359, %get3A_368 : vector<16xf32>
      %swap3A_370 = arith.index_cast %squeeze3A_356 : i32 to index
      %swap3A_371 = arith.constant 0 : index
      %swap3A_372 = tpu.vector_load %arg6[%swap3A_370, %swap3A_371] {strides = array<i32>} : memref<336x16xf32, #tpu.memory_space<vmem>>, vector<16xf32>,
      tpu.vector_store %arg6[%swap3A_370, %swap3A_371], %max3A_369 {strides = array<i32>} : memref<336x16xf32, #tpu.memory_space<vmem>>, vector<16xf32>,
      %slice3A_373 = vector.extract_strided_slice %min3A_104 {offsets = [15], sizes = [1], strides = [1]} : vector<16xi32> to vector<1xi32>
      %squeeze3A_374 = vector.extract %slice3A_373[0] : i32 from vector<1xi32>
      %get3A_375 = arith.index_cast %squeeze3A_374 : i32 to index
      %get3A_376 = arith.constant 0 : index
      %get3A_377 = tpu.vector_load %arg6[%get3A_375, %get3A_376] {strides = array<i32>} : memref<336x16xf32, #tpu.memory_space<vmem>>, vector<16xf32>,
      %mul3A_378 = arith.constant 16 : i32
      %mul3A_379 = arith.muli %while3A_96, %mul3A_378 : i32
      %add3A_380 = arith.constant 15 : i32
      %add3A_381 = arith.addi %mul3A_379, %add3A_380 : i32
      %get3A_382 = arith.constant 0 : i32
      %get3A_383 = arith.index_cast %get3A_382 : i32 to index
      %get3A_384 = arith.index_cast %add3A_381 : i32 to index
      %get3A_385 = arith.constant 0 : index
      %get3A_386 = tpu.vector_load %arg11[%get3A_383, %get3A_384, %get3A_385] {strides = array<i32>} : memref<2x128x128xf32, #tpu.memory_space<vmem>>, vector<16xf32>,
      %max3A_387 = arith.maximumf %get3A_377, %get3A_386 : vector<16xf32>
      %swap3A_388 = arith.index_cast %squeeze3A_374 : i32 to index
      %swap3A_389 = arith.constant 0 : index
      %swap3A_390 = tpu.vector_load %arg6[%swap3A_388, %swap3A_389] {strides = array<i32>} : memref<336x16xf32, #tpu.memory_space<vmem>>, vector<16xf32>,
      tpu.vector_store %arg6[%swap3A_388, %swap3A_389], %max3A_387 {strides = array<i32>} : memref<336x16xf32, #tpu.memory_space<vmem>>, vector<16xf32>,
      %while3A_391 = arith.constant 0 : i32
      scf.yield %while3A_391 : i32
    }
    "tpu.region"() ({
      %run_scoped3A = tpu.sem_alloc : memref<!tpu.dma_semaphore, #tpu.memory_space<semaphore_mem>>
      %dma_start3A_96 = arith.constant 0 : i32
      %dma_start3A_97 = arith.constant 0 : i32
      %dma_start3A_98 = tpu.memref_slice %arg6[%dma_start3A_96, %dma_start3A_97] : memref<336x16xf32, #tpu.memory_space<vmem>> -> memref<320x16xf32, #tpu.memory_space<vmem>>
      %dma_start3A_99 = arith.constant 0 : i32
      %dma_start3A_100 = tpu.memref_slice %arg5[%mul3A_2, %dma_start3A_99] : memref<10240x16xf32, #tpu.memory_space<hbm>> -> memref<320x16xf32, #tpu.memory_space<hbm>>
      %dma_start3A_101 = arith.constant 0 : i32
      %dma_start3A_102 = tpu.memref_slice %arg5[%mul3A_2, %dma_start3A_101] : memref<10240x16xf32, #tpu.memory_space<hbm>> -> memref<320x16xf32, #tpu.memory_space<hbm>>
      %dma_start3A_103 = arith.constant 0 : i32
      %dma_start3A_104 = arith.constant 0 : i32
      %dma_start3A_105 = tpu.memref_slice %arg6[%dma_start3A_103, %dma_start3A_104] : memref<336x16xf32, #tpu.memory_space<vmem>> -> memref<320x16xf32, #tpu.memory_space<vmem>>
      tpu.enqueue_dma source(%dma_start3A_105 : memref<320x16xf32, #tpu.memory_space<vmem>>) target(%dma_start3A_102 : memref<320x16xf32, #tpu.memory_space<hbm>>) target_semaphore(%run_scoped3A : memref<!tpu.dma_semaphore, #tpu.memory_space<semaphore_mem>>)
      %dma_wait3A = arith.constant 0 : i32
      %dma_wait3A_106 = arith.constant 0 : i32
      %dma_wait3A_107 = tpu.memref_slice %arg6[%dma_wait3A, %dma_wait3A_106] : memref<336x16xf32, #tpu.memory_space<vmem>> -> memref<320x16xf32, #tpu.memory_space<vmem>>
      %dma_wait3A_108 = arith.constant 0 : i32
      %dma_wait3A_109 = tpu.memref_slice %arg5[%mul3A_2, %dma_wait3A_108] : memref<10240x16xf32, #tpu.memory_space<hbm>> -> memref<320x16xf32, #tpu.memory_space<hbm>>
      %dma_wait3A_110 = arith.constant 0 : i32
      %dma_wait3A_111 = tpu.memref_slice %arg5[%mul3A_2, %dma_wait3A_110] : memref<10240x16xf32, #tpu.memory_space<hbm>> -> memref<320x16xf32, #tpu.memory_space<hbm>>
      %dma_wait3A_112 = arith.constant 0 : i32
      %dma_wait3A_113 = arith.constant 0 : i32
      %dma_wait3A_114 = tpu.memref_slice %arg6[%dma_wait3A_112, %dma_wait3A_113] : memref<336x16xf32, #tpu.memory_space<vmem>> -> memref<320x16xf32, #tpu.memory_space<vmem>>
      tpu.wait_dma2 semaphore(%run_scoped3A : memref<!tpu.dma_semaphore, #tpu.memory_space<semaphore_mem>>) src(%dma_wait3A_114 : memref<320x16xf32, #tpu.memory_space<vmem>>) dst(%dma_wait3A_111 : memref<320x16xf32, #tpu.memory_space<hbm>>)
      tpu.yield
    }) : () -> ()
    return
  }
}

module attributes {stable_mosaic.version = 14 : i64} {
  func.func @_final_kernel(%arg0: i32, %arg1: memref<2000x128xf32, #tpu.memory_space<vmem>>, %arg2: memref<2000x16xf32, #tpu.memory_space<vmem>>, %arg3: memref<16x128xf32, #tpu.memory_space<vmem>>, %arg4: memref<1x128xf32, #tpu.memory_space<vmem>>, %arg5: memref<2000x256xf32, #tpu.memory_space<vmem>>) attributes {dimension_semantics = [#tpu.dimension_semantics<arbitrary>], iteration_bounds = array<i64: 5>, scalar_prefetch = 0 : i64, scratch_operands = 0 : i64, tpu.core_type = #tpu.core_type<tc>, window_params = [{transform_indices = @transform_0, window_bounds = array<i64: 2000, 128>}, {transform_indices = @transform_1, window_bounds = array<i64: 2000, 16>}, {pipeline_mode = #tpu.pipeline_mode<synchronous>, transform_indices = @transform_2, window_bounds = array<i64: 16, 128>}, {pipeline_mode = #tpu.pipeline_mode<synchronous>, transform_indices = @transform_3, window_bounds = array<i64: 1, 128>}, {transform_indices = @transform_4, window_bounds = array<i64: 2000, 256>}]} {
    %get3A = arith.constant 0 : index
    %get3A_0 = arith.constant 0 : index
    %get3A_1 = vector.load %arg2[%get3A, %get3A_0] : memref<2000x16xf32, #tpu.memory_space<vmem>>, vector<2000x16xf32>
    %get3A_2 = arith.constant 0 : index
    %get3A_3 = arith.constant 0 : index
    %get3A_4 = vector.load %arg3[%get3A_2, %get3A_3] : memref<16x128xf32, #tpu.memory_space<vmem>>, vector<16x128xf32>
    %dot_general3A = arith.constant dense<0.000000e+00> : vector<2000x128xf32>
    %dot_general3A_5 = tpu.matmul %get3A_1, %get3A_4, %dot_general3A {dimension_numbers = #tpu.dot_dimension_numbers<[1], [0], [0], [1], [0, 0, 1, 1], [], []>, transpose_lhs_hint = false} : vector<2000x16xf32>, vector<16x128xf32>, vector<2000x128xf32> -> vector<2000x128xf32>
    %get3A_6 = arith.constant 0 : index
    %get3A_7 = arith.constant 0 : index
    %get3A_8 = vector.load %arg4[%get3A_6, %get3A_7] : memref<1x128xf32, #tpu.memory_space<vmem>>, vector<1x128xf32>
    %add3A = vector.broadcast %get3A_8 : vector<1x128xf32> to vector<2000x128xf32>
    %add3A_9 = arith.addf %dot_general3A_5, %add3A : vector<2000x128xf32>
    %max3A = arith.constant 0.000000e+00 : f32
    %max3A_10 = vector.broadcast %max3A : f32 to vector<2000x128xf32>
    %max3A_11 = arith.maximumf %add3A_9, %max3A_10 : vector<2000x128xf32>
    %get3A_12 = arith.constant 0 : index
    %get3A_13 = arith.constant 0 : index
    %get3A_14 = vector.load %arg1[%get3A_12, %get3A_13] : memref<2000x128xf32, #tpu.memory_space<vmem>>, vector<2000x128xf32>
    %concatenate3A = tpu.concatenate %get3A_14, %max3A_11 in 1 : vector<2000x128xf32>, vector<2000x128xf32> -> vector<2000x256xf32>
    %mul3A = arith.mulf %concatenate3A, %concatenate3A : vector<2000x256xf32>
    %reduce_sum3A = arith.constant dense<0.000000e+00> : vector<2000xf32>
    %reduce_sum3A_15 = vector.multi_reduction <add>, %mul3A, %reduce_sum3A [1] : vector<2000x256xf32> to vector<2000xf32>
    %broadcast_in_dim3A = vector.shape_cast %reduce_sum3A_15 : vector<2000xf32> to vector<2000x1xf32>
    %max3A_16 = arith.constant 9.99999996E-13 : f32
    %max3A_17 = vector.broadcast %max3A_16 : f32 to vector<2000x1xf32>
    %max3A_18 = arith.maximumf %broadcast_in_dim3A, %max3A_17 : vector<2000x1xf32>
    %rsqrt3A = math.rsqrt %max3A_18 : vector<2000x1xf32>
    %mul3A_19 = vector.broadcast %rsqrt3A : vector<2000x1xf32> to vector<2000x256xf32>
    %mul3A_20 = arith.mulf %concatenate3A, %mul3A_19 : vector<2000x256xf32>
    %swap3A = arith.constant 0 : index
    %swap3A_21 = arith.constant 0 : index
    %swap3A_22 = vector.load %arg5[%swap3A, %swap3A_21] : memref<2000x256xf32, #tpu.memory_space<vmem>>, vector<2000x256xf32>
    tpu.vector_store %arg5[%swap3A, %swap3A_21], %mul3A_20 {strides = array<i32>} : memref<2000x256xf32, #tpu.memory_space<vmem>>, vector<2000x256xf32>,
    return
  }
  func.func @transform_0(%arg0: i32) -> (i32, i32) {
    %c0_i32 = arith.constant 0 : i32
    %c0_i32_0 = arith.constant 0 : i32
    return %arg0, %c0_i32 : i32, i32
  }
  func.func @transform_1(%arg0: i32) -> (i32, i32) {
    %c0_i32 = arith.constant 0 : i32
    %c0_i32_0 = arith.constant 0 : i32
    return %arg0, %c0_i32 : i32, i32
  }
  func.func @transform_2(%arg0: i32) -> (i32, i32) {
    %c0_i32 = arith.constant 0 : i32
    %c0_i32_0 = arith.constant 0 : i32
    %c0_i32_1 = arith.constant 0 : i32
    return %c0_i32, %c0_i32_0 : i32, i32
  }
  func.func @transform_3(%arg0: i32) -> (i32, i32) {
    %c0_i32 = arith.constant 0 : i32
    %c0_i32_0 = arith.constant 0 : i32
    %c0_i32_1 = arith.constant 0 : i32
    return %c0_i32, %c0_i32_0 : i32, i32
  }
  func.func @transform_4(%arg0: i32) -> (i32, i32) {
    %c0_i32 = arith.constant 0 : i32
    %c0_i32_0 = arith.constant 0 : i32
    return %arg0, %c0_i32 : i32, i32
  }
}

module attributes {stable_mosaic.version = 14 : i64} {
  func.func @_mm_relu_kernel(%arg0: i32, %arg1: memref<2000x128xf32, #tpu.memory_space<vmem>>, %arg2: memref<128x128xf32, #tpu.memory_space<vmem>>, %arg3: memref<1x128xf32, #tpu.memory_space<vmem>>, %arg4: memref<2000x128xf32, #tpu.memory_space<vmem>>) attributes {dimension_semantics = [#tpu.dimension_semantics<arbitrary>], iteration_bounds = array<i64: 5>, scalar_prefetch = 0 : i64, scratch_operands = 0 : i64, tpu.core_type = #tpu.core_type<tc>, window_params = [{transform_indices = @transform_0, window_bounds = array<i64: 2000, 128>}, {pipeline_mode = #tpu.pipeline_mode<synchronous>, transform_indices = @transform_1, window_bounds = array<i64: 128, 128>}, {pipeline_mode = #tpu.pipeline_mode<synchronous>, transform_indices = @transform_2, window_bounds = array<i64: 1, 128>}, {transform_indices = @transform_3, window_bounds = array<i64: 2000, 128>}]} {
    %get3A = arith.constant 0 : index
    %get3A_0 = arith.constant 0 : index
    %get3A_1 = vector.load %arg1[%get3A, %get3A_0] : memref<2000x128xf32, #tpu.memory_space<vmem>>, vector<2000x128xf32>
    %get3A_2 = arith.constant 0 : index
    %get3A_3 = arith.constant 0 : index
    %get3A_4 = vector.load %arg2[%get3A_2, %get3A_3] : memref<128x128xf32, #tpu.memory_space<vmem>>, vector<128x128xf32>
    %dot_general3A = arith.constant dense<0.000000e+00> : vector<2000x128xf32>
    %dot_general3A_5 = tpu.matmul %get3A_1, %get3A_4, %dot_general3A {dimension_numbers = #tpu.dot_dimension_numbers<[1], [0], [0], [1], [0, 0, 1, 1], [], []>, transpose_lhs_hint = false} : vector<2000x128xf32>, vector<128x128xf32>, vector<2000x128xf32> -> vector<2000x128xf32>
    %get3A_6 = arith.constant 0 : index
    %get3A_7 = arith.constant 0 : index
    %get3A_8 = vector.load %arg3[%get3A_6, %get3A_7] : memref<1x128xf32, #tpu.memory_space<vmem>>, vector<1x128xf32>
    %add3A = vector.broadcast %get3A_8 : vector<1x128xf32> to vector<2000x128xf32>
    %add3A_9 = arith.addf %dot_general3A_5, %add3A : vector<2000x128xf32>
    %max3A = arith.constant 0.000000e+00 : f32
    %max3A_10 = vector.broadcast %max3A : f32 to vector<2000x128xf32>
    %max3A_11 = arith.maximumf %add3A_9, %max3A_10 : vector<2000x128xf32>
    %swap3A = arith.constant 0 : index
    %swap3A_12 = arith.constant 0 : index
    %swap3A_13 = vector.load %arg4[%swap3A, %swap3A_12] : memref<2000x128xf32, #tpu.memory_space<vmem>>, vector<2000x128xf32>
    tpu.vector_store %arg4[%swap3A, %swap3A_12], %max3A_11 {strides = array<i32>} : memref<2000x128xf32, #tpu.memory_space<vmem>>, vector<2000x128xf32>,
    return
  }
  func.func @transform_0(%arg0: i32) -> (i32, i32) {
    %c0_i32 = arith.constant 0 : i32
    %c0_i32_0 = arith.constant 0 : i32
    return %arg0, %c0_i32 : i32, i32
  }
  func.func @transform_1(%arg0: i32) -> (i32, i32) {
    %c0_i32 = arith.constant 0 : i32
    %c0_i32_0 = arith.constant 0 : i32
    %c0_i32_1 = arith.constant 0 : i32
    return %c0_i32, %c0_i32_0 : i32, i32
  }
  func.func @transform_2(%arg0: i32) -> (i32, i32) {
    %c0_i32 = arith.constant 0 : i32
    %c0_i32_0 = arith.constant 0 : i32
    %c0_i32_1 = arith.constant 0 : i32
    return %c0_i32, %c0_i32_0 : i32, i32
  }
  func.func @transform_3(%arg0: i32) -> (i32, i32) {
    %c0_i32 = arith.constant 0 : i32
    %c0_i32_0 = arith.constant 0 : i32
    return %arg0, %c0_i32 : i32, i32
  }
}

</mosaic_0001>

<sc_bundles>
// kernel: kernel.6.cloned.1.call-start
scs
__scs_entry_jumppad:
0x0: {  	(pc) =	sbr.rel $0x88, $3  }
0x1: {  	(tag) =	ssettag $0x0;
	lr =	simm.s32 $0x1  }
0x2: {  	[smem:$0x3F99] =	sst lr;
	_ =	strace $0xD0000000  }
0x3: {  	_ = 	snop  }
0x4: {  	_ = 	snop  }
0x5: {  	_ = 	snop  }
0x6: {  	_ = 	snop  }
0x7: {  	_ = 	snop  }
__scs_overlays_trampoline_lowered:
0x8: {  	[smem:$0x3FA8] =	sst s0  }
0x9: {  	[smem:$0x3FA9] =	sst s1  }
0xa: {  	[smem:$0x3FAA] =	sst s2  }
0xb: {  	[smem:$0x3FAB] =	sst s3  }
0xc: {  	[smem:$0x3FAC] =	sst s4  }
0xd: {  	[smem:$0x3FAD] =	sst s5  }
0xe: {  	[smem:$0x3FAE] =	sst s6  }
0xf: {  	[smem:$0x3FAF] =	sst s7  }
0x10: {  	[smem:$0x3FB0] =	sst s8  }
0x11: {  	[smem:$0x3FB1] =	sst s9;
	s0 =	simm.s32 @!p0 $0x0  }
0x12: {  	s1 =	sld [smem:$0x3F97];
	s0 =	simm.s32 @p0 $0x1  }
0x13: {  	[smem:$0x3FB2] =	sst s0;
	s0 =	simm.s32 @!p1 $0x0  }
0x14: {  	s2 =	sld [smem:$0x3F96];
	s0 =	simm.s32 @p1 $0x1  }
0x15: {  	[smem:$0x3FB3] =	sst s0;
	s0 =	simm.s32 @!p2 $0x0  }
0x16: {  	s3 =	sld [smem:$0x3FDB];
	s0 =	simm.s32 @p2 $0x1  }
0x17: {  	s4 =	simm.s32 $0x1BF5;
	[smem:$0x3FB5] =	sst s0  }
0x18: {  	s0 =	sld [smem:$0x3F98];
	_ =	swait.ge [sflag:s4], $0x0  }
0x19: {  	s7 =	sld [smem:$0x3F99]  }
0x1a: {  	s8 =	sadd.s32 $0xFFFFE003, lr  }
0x1b: {  	s9 =	sadd.s32 $0xFFFFFEF7, lr;
	s5 =	simm.s32 $0xFFFFFFFF;
	p2 =	slt.u32 s8, $0xFFFFF086  }
0x1c: {  	p1 =	slt.u32 s9, $0xF7A;
	s5 =	simm.s32 @!p2 $0x0  }
0x1d: {  	s5 =	simm.s32 @p1 $0x1;
	p0 =	seq.s32 s7, s2  }
0x1e: {  	s7 =	smul.u32 @!p0 $0xF7A, s2;
	p2 =	seq.s32 @!p0 s5, $0x0  }
0x1f: {  	s9 =	smul.u32 $0xF7A, s1;
	s8 =	simm.s32 @!p0 $0x1BF5;
	p2 =	por !p2, p0  }
0x20: {  	[sflag:s8] =	ssyncset.s32 @!p0 $0xFFFFF086;
	s6 =	sadd.s32 @!p0 s3, s7;
	s7 =	simm.s32 @!p0 $0x108  }
0x21: {  	s3 =	sadd.s32 s3, s9;
	s6 =	sadd.s32 @!p0 $0x88, s6;
	s7 =	simm.s32 @p2 $0x1082  }
0x22: {  	[simem:s7], [sflag:s8] =	dma.local @!p0 [hbm:s6], $0xF7A  }
0x23: {  	s9 =	sor.u32 $0xD0000000, s2;
	s6 =	simm.s32 $0x108;
	_ =	swait.ge @!p0 [sflag:s8], $0x0  }
0x24: {  	s3 =	sadd.s32 $0x88, s3;
	s6 =	simm.s32 @!p1 $0x1082;
	[sflag:s4] =	ssyncset.s32 $0xFFFFF086  }
0x25: {  	[simem:s6], [sflag:s4] =	dma.local [hbm:s3], $0xF7A  }
0x26: {  	[smem:$0x3F99] =	sst s1;
	(tag) =	ssettag s2;
	_ =	strace s9  }
0x27: {  	s1 =	sld [smem:$0x3FA9]  }
0x28: {  	s2 =	sld [smem:$0x3FAA]  }
0x29: {  	s4 =	sld [smem:$0x3FAC]  }
0x2a: {  	p0 =	seq.s32 s5, $0x0;
	s5 =	sld [smem:$0x3FAD]  }
0x2b: {  	s6 =	sld [smem:$0x3FAE]  }
0x2c: {  	s7 =	sld [smem:$0x3FAF]  }
0x2d: {  	s3 =	simm.s32 $0x108;
	s8 =	sld [smem:$0x3FB0]  }
0x2e: {  	s3 =	simm.s32 @!p0 $0x1082;
	s9 =	sld [smem:$0x3FB1]  }
0x2f: {  	lr =	sadd.s32 s0, s3;
	s0 =	sld [smem:$0x3FA8]  }
0x30: {  	s3 =	sld [smem:$0x3FAB]  }
0x31: {  	[smem:$0x3FB4] =	sst s10  }
0x32: {  	s10 =	sld [smem:$0x3FB2];
	_ =	sdelay $0x3  }
0x33: {  	p0 =	seq.s32 s10, $0x1;
	s10 =	sld [smem:$0x3FB4];
	_ =	sdelay $0x3  }
0x34: {  	[smem:$0x3FB4] =	sst s10  }
0x35: {  	s10 =	sld [smem:$0x3FB3];
	_ =	sdelay $0x3  }
0x36: {  	p1 =	seq.s32 s10, $0x1;
	s10 =	sld [smem:$0x3FB4];
	_ =	sdelay $0x3  }
0x37: {  	[smem:$0x3FB4] =	sst s10  }
0x38: {  	s10 =	sld [smem:$0x3FB5]  }
0x39: {  	_ = 	snop;
	(pc) =	sbr.ind lr, $3  }
0x3a: {  	_ = 	snop  }
0x3b: {  	_ = 	snop  }
0x3c: {  	p2 =	seq.s32 s10, $0x1;
	s10 =	sld [smem:$0x3FB4]  }
0x3d: {  	_ =	shalt  }
0x3e: {  	_ =	shalt  }
0x3f: {  	_ =	shalt  }
0x40: {  	_ =	shalt  }
0x41: {  	_ =	shalt  }
0x42: {  	_ =	shalt  }
0x43: {  	_ =	shalt  }
0x44: {  	_ =	shalt  }
0x45: {  	_ =	shalt  }
0x46: {  	_ =	shalt  }
0x47: {  	_ =	shalt  }
0x48: {  	_ =	shalt  }
0x49: {  	_ =	shalt  }
0x4a: {  	_ =	shalt  }
0x4b: {  	_ =	shalt  }
0x4c: {  	_ =	shalt  }
0x4d: {  	_ =	shalt  }
0x4e: {  	_ =	shalt  }
0x4f: {  	_ =	shalt  }
0x50: {  	_ =	shalt  }
0x51: {  	_ =	shalt  }
0x52: {  	_ =	shalt  }
0x53: {  	_ =	shalt  }
0x54: {  	_ =	shalt  }
0x55: {  	_ =	shalt  }
0x56: {  	_ =	shalt  }
0x57: {  	_ =	shalt  }
0x58: {  	_ =	shalt  }
0x59: {  	_ =	shalt  }
0x5a: {  	_ =	shalt  }
0x5b: {  	_ =	shalt  }
0x5c: {  	_ =	shalt  }
0x5d: {  	_ =	shalt  }
0x5e: {  	_ =	shalt  }
0x5f: {  	_ =	shalt  }
0x60: {  	_ =	shalt  }
0x61: {  	_ =	shalt  }
0x62: {  	_ =	shalt  }
0x63: {  	_ =	shalt  }
0x64: {  	_ =	shalt  }
0x65: {  	_ =	shalt  }
0x66: {  	_ =	shalt  }
0x67: {  	_ =	shalt  }
0x68: {  	_ =	shalt  }
0x69: {  	_ =	shalt  }
0x6a: {  	_ =	shalt  }
0x6b: {  	_ =	shalt  }
0x6c: {  	_ =	shalt  }
0x6d: {  	_ =	shalt  }
0x6e: {  	_ =	shalt  }
0x6f: {  	_ =	shalt  }
0x70: {  	_ =	shalt  }
0x71: {  	_ =	shalt  }
0x72: {  	_ =	shalt  }
0x73: {  	_ =	shalt  }
0x74: {  	_ =	shalt  }
0x75: {  	_ =	shalt  }
0x76: {  	_ =	shalt  }
0x77: {  	_ =	shalt  }
0x78: {  	_ =	shalt  }
0x79: {  	_ =	shalt  }
0x7a: {  	_ =	shalt  }
0x7b: {  	_ =	shalt  }
0x7c: {  	_ =	shalt  }
0x7d: {  	_ =	shalt  }
0x7e: {  	_ =	shalt  }
0x7f: {  	_ =	shalt  }
0x80: {  	_ =	shalt  }
0x81: {  	_ =	shalt  }
0x82: {  	_ =	shalt  }
0x83: {  	_ =	shalt  }
0x84: {  	_ =	shalt  }
0x85: {  	_ =	shalt  }
0x86: {  	_ =	shalt  }
0x87: {  	_ =	shalt  }
.Lfunc_end0:
.L_simem_size_0:
called_computation_lowered:
.L_overlay_start_0:
0x88: {  	s2 =	sld [smem:$0x3FD9]  }
0x89: {  	s3 =	sld [smem:$0x3FFE];
	_ =	sdelay $0x1  }
0x8a: {  	s1 =	srdreg.scid  }
0x8b: {  	s0 =	sand.u32 $0x1, s1  }
0x8c: {  	s17 =	sshll.u32 s0, $0xA;
	s2 =	sadd.s32 s3, s2  }
0x8d: {  	s2 =	sadd.s32 s2, s17  }
0x8e: {  	[smem:$0x3FC0] =	sst s2  }
0x8f: {  	_ = 	snop  }
0x90: {  	s2 =	sld [smem:$0x3FD0];
	(tm) =	ssettm $0x1  }
0x91: {  	s18 =	sld [smem:$0x3FFB];
	_ =	sdelay $0x3  }
0x92: {  	_ =	strace s18  }
0x93: {  	s3 =	sld [smem:$0x3FFC];
	_ =	sdelay $0x3  }
0x94: {  	_ =	strace s3  }
0x95: {  	s3 =	sld [smem:$0x3FFD];
	_ =	sdelay $0x3  }
0x96: {  	_ =	strace s3  }
0x97: {  	_ =	strace $0x8FFFFFFF  }
0x98: {  	s19 =	sld [smem:$0x3FDB];
	_ =	sdelay $0x1  }
0x99: {  	s4 =	simm.s32 $_scs_section_size  }
0x9a: {  	s5 =	simm.s32 $_size__tile_overlayer_lowered;
	s6 =	simm.s32 $_tile_overlayer_lowered  }
0x9b: {  	s22 =	simm.s32 $0x1BFF;
	s21 =	sshll.u32 s6, $0x1;
	s3 =	sadd.s32 s4, s19  }
0x9c: {  	s7 =	simm.s32 $0x0;
	s20 =	sshll.u32 s5, $0x1;
	s5 =	sadd.s32 s21, s3  }
0x9d: {  	[timem:s7], [sflag:s22] =	dma.local [hbm:s5], s20  }
0x9e: {  	_ =	swait.ge [sflag:s22], s20  }
0x9f: {  	s4 =	ssub.s32 $0x0, s20;
	[sflag:s22] =	ssyncset.done $0x0  }
0xa0: {  	[sflag:s22] =	ssyncadd.s32 s4;
	_ =	sdelay $0x1  }
0xa1: {  	s23 =	simm.s32 $0x1B8B  }
0xa2: {  	_ =	swait.ge [sflag:s23], $0x1  }
0xa3: {  	[sflag:s23] =	ssyncset.done $0x0  }
0xa4: {  	s25 =	simm.s32 $0x1B8E;
	s24 =	sld [smem:$0x3FFE];
	[sflag:s23] =	ssyncadd.s32 $0xFFFFFFFF  }
0xa5: {  	s26 =	simm.s32 $execute0_lowered;
	[smem:$0x3FD2] =	sst s25  }
0xa6: {  	s5 =	sshll.u32 s26, $0x1;
	_ =	strace $0x80000046;
	[dreg:$0x1] =	wrdreg $0xFFFFFFFF  }
0xa7: {  	s28 =	simm.s32 $_size_execute0_lowered;
	s3 =	sadd.s32 s3, s5;
	[dreg:$0x0] =	wrdreg $0x0  }
0xa8: {  	s5 =	sshll.u32 s28, $0x1;
	[dreg:$0x2] =	wrdreg s3  }
0xa9: {  	[dreg:$0x3] =	wrdreg s5  }
0xaa: {  	[dreg:$0x4] =	wrdreg $0xC0  }
0xab: {  	_ =	task [dreg:s7], $0x5FFFF  }
0xac: {  	[dreg:$0x1] =	wrdreg $0xFFFFFFFF  }
0xad: {  	[dreg:$0x0] =	wrdreg $0x60  }
0xae: {  	[dreg:$0x2] =	wrdreg s24  }
0xaf: {  	[dreg:$0x3] =	wrdreg s2  }
0xb0: {  	[dreg:$0x4] =	wrdreg $0x9  }
0xb1: {  	_ =	task.clear_ibuf [dreg:s7], $0x5FFFF;
	_ =	strace $0x90000046  }
0xb2: {  	s29 =	simm.s32 $0x9;
	_ =	strace $0x80000048  }
0xb3: {  	_ =	swait.ge [sflag:s29], $0x1  }
0xb4: {  	[sflag:s29] =	ssyncadd.s32 $0xFFFFFFFF  }
0xb5: {  	_ =	strace $0x90000048  }
0xb6: {  	_ =	sfence  }
0xb7: {  	s30 =	sld [smem:$0x0];
	_ =	sdelay $0x2  }
0xb8: {  	s31 =	sshll.u32 s1, $0xD;
	s1 =	sshrl.u32 s1, $0x2  }
0xb9: {  	s3 =	sand.u32 $0x4000, s31;
	s1 =	sadd.s32 s1, s30  }
0xba: {  	s0 =	sor.u32 s3, s0;
	s1 =	sshll.u32 s1, $0x11  }
0xbb: {  	s0 =	sor.u32 s1, s0  }
0xbc: {  	s0 =	sadd.s32 $0x8F2B, s0  }
0xbd: {  	[sflag:s0] =	ssyncadd.remote.s32 $0x1  }
0xbe: {  	_ =	sfence.sel $0xFFFF  }
0xbf: {  	[dreg:$0x0] =	wrdreg $0xFFFFFFFF;
	(pc) =	sbr.abs _section_cstart, $3  }
0xc0: {  	[dreg:$0x1] =	wrdreg $0xFFFFFFFF  }
0xc1: {  	_ =	task.clear_ibuf [dreg:s7], $0x2FFFF;
	_ =	strace $0x9FFFFFFF  }
0xc2: {  	(tm) =	ssettm $0x7FFFFFFF  }
0xc3: {  	_ =	shalt  }
tec
execute0_lowered:
.L_overlay_start_1:
0x0: {  	(tag) =	ssettag $0x1  }
0x1: {  	s5 =	rddreg [dreg:$0x0]  }
0x2: {  	s6 =	rddreg [dreg:$0x1]  }
0x3: {  	s0 =	rddreg [dreg:$0x2];
	s3 =	srdreg.scid  }
0x4: {  	s1 =	stileid.u32;
	s2 =	simm.s32 $0x0;
	s12 =	simm.s32 $0xF500  }
0x5: {  	s13 =	simm.s32 $0x1;
	s4 =	sand.u32 $0x1, s3;
	s31 =	sshll.u32 s1, $0x1  }
0x6: {  	s14 =	simm.s32 $0x4;
	s15 =	simm.s32 $0x0;
	s7 =	sor.u32 s4, s31  }
0x7: {  	[smem:$0x7FF] =	sst s2;
	s3 =	sadd.s32 $0x13E00, s5;
	s10 =	smul.u32 $0x140, s7  }
.Ltmp0:
0x8: {  	_ =	strace $0x80000047;
	s8 =	ssub.s32 $0x2, s4;
	(pc) =	sbr.rel .LBB2_1-.Ltmp0, $4  }
0x9: {  	s4 =	sadd.s32 $0xA000, s5;
	s7 =	smul.u32 $0x1400, s7;
	s9 =	sshrl.u32 s8, $0x1  }
0xa: {  	s5 =	sadd.s32 $0x200, s5;
	s8 =	ssub.s32 s8, s9;
	s9 =	simm.s32 $0xE780  }
0xb: {  	v2 =	vimm.f32 $0.0e+00;
	v3 =	vimm.s32 $0x140;
	v4 =	vimm.s32 $0x0;
	s11 =	sadd.s32 $0x140, s10;
	s6 =	sadd.s32 s6, s7;
	s7 =	smax.u32 s8, $0x1  }
0xc: {  	vm0 =	vmmov $0xffff;
	s8 =	simm.s32 $0x3;
	v0 =	vmov s10;
	s10 =	simm.s32 $0xDA00;
	v1 =	vmov s11;
	s11 =	simm.s32 $0x80  }
.LBB2_33:
0xd: {  	v5 =	vld [tilespmem:s20+$0x0]  }
0xe: {  	v6 =	vld [tilespmem:s18+$0x300];
	_ =	sdelay $0x4  }
0xf: {  	v5 =	vmax.f32 v5, v6  }
0x10: {  	s16 =	spop (v2sf);
	[tilespmem:s20+$0x0] =	vst v5  }
0x11: {  	v5 =	vld [tilespmem:s16+$0x0]  }
0x12: {  	v6 =	vld [tilespmem:s18+$0x380];
	_ =	sdelay $0x4  }
0x13: {  	v5 =	vmax.f32 v5, v6  }
0x14: {  	[tilespmem:s16+$0x0] =	vst v5  }
.LBB2_34:
0x15: {  	s15 =	sadd.s32 $0x1, s15  }
0x16: {  	p0 =	sne.s32 s15, s7  }
.Ltmp1:
0x17: {  	_ = 	snop;
	(pc) =	sbr.rel @!p0 .LBB2_35-.Ltmp1, $4  }
0x18: {  	[hbm4b:s6+s2] =	stream.linear.scatter [tilespmem:s2], [sflag:$0x4], $0xA000, $0x38;
	[tilespmem:$0x17500] =	vst v63  }
0x19: {  	_ =	swait.ge [sflag:s14], $0xA000  }
0x1a: {  	[sflag:s14] =	ssyncset.done $0x0  }
0x1b: {  	[sflag:s14] =	ssyncadd.s32 $0xFFFF6000  }
.LBB2_1:
0x1c: {  	s16 =	simm.s32 $0x0  }
.LBB2_2:
0x1d: {  	p0 =	sne.s32 s16, $0x29E00  }
.Ltmp2:
0x1e: {  	_ = 	snop;
	(pc) =	sbr.rel @p0 .LBB2_2-.Ltmp2, $3  }
0x1f: {  	_ =	sdelay $0x1  }
0x20: {  	s17 =	sshra.s32 s16, $0x2  }
0x21: {  	s16 =	sadd.s32 $0x200, s16;
	[tilespmem:s17+$0x0] =	vst v2  }
0x22: {  	s16 =	simm.s32 $0x0;
	s17 =	simm.s32 $0xA800;
	s18 =	simm.s32 $0x0  }
.LBB2_4:
0x23: {  	p0 =	sne.s32 s18, $0x180  }
.Ltmp3:
0x24: {  	_ = 	snop;
	(pc) =	sbr.rel @p0 .LBB2_4-.Ltmp3, $4  }
0x25: {  	_ = 	snop  }
0x26: {  	s19 =	sadd.s32 s18, s4  }
0x27: {  	[tilespmem:s17], [sflag:$0x3] =	stream.linear.gather [hbm4b:s19+s16], $0x80, $0x38;
	[tilespmem:$0x17500] =	vst v63  }
0x28: {  	s18 =	sadd.s32 $0x10, s18;
	s17 =	sadd.s32 $0x100, s17  }
0x29: {  	s16 =	simm.s32 $0xC100;
	s17 =	sadd.s32 $0x0, s5;
	s20 =	simm.s32 $0x0  }
0x2a: {  	[tilespmem:s16], [sflag:$0x3] =	stream.linear.gather [hbm4b:s17+s20], $0x80, $0x38;
	[tilespmem:$0x17500] =	vst v63  }
0x2b: {  	s17 =	simm.s32 $0x10  }
.LBB2_6:
0x2c: {  	p0 =	sne.s32 s17, $0x180  }
.Ltmp4:
0x2d: {  	_ = 	snop;
	(pc) =	sbr.rel @p0 .LBB2_6-.Ltmp4, $4  }
0x2e: {  	_ = 	snop  }
0x2f: {  	s18 =	sadd.s32 s17, s5;
	s16 =	sadd.s32 $0x100, s16  }
0x30: {  	s17 =	sadd.s32 $0x10, s17  }
0x31: {  	[tilespmem:s16], [sflag:$0x3] =	stream.linear.gather [hbm4b:s18+s20], $0x80, $0x38;
	[tilespmem:$0x17500] =	vst v63  }
.Ltmp5:
0x32: {  	(pc) =	sbr.rel .LBB2_8-.Ltmp5, $2  }
0x33: {  	_ =	sdelay $0x2  }
0x34: {  	s18 =	simm.s32 $0x0  }
.LBB2_17:
0x35: {  	s20 =	smov.u32 s18  }
.LBB2_18:
0x36: {  	v5 =	vld [tilespmem:s17+$0xDA00];
	_ =	sdelay $0x4  }
0x37: {  	[tilespmem:$0xDA00] =	vst v5  }
0x38: {  	v5 =	vld [tilespmem:s17+$0xE780];
	_ =	sdelay $0x4  }
0x39: {  	[tilespmem:$0xE780] =	vst v5  }
0x3a: {  	v5 =	vld [tilespmem:s17+$0xDA10];
	_ =	sdelay $0x4  }
0x3b: {  	[tilespmem:$0xDA10] =	vst v5  }
0x3c: {  	v5 =	vld [tilespmem:s17+$0xE790];
	_ =	sdelay $0x4  }
0x3d: {  	[tilespmem:$0xE790] =	vst v5  }
0x3e: {  	v5 =	vld [tilespmem:s17+$0xDA20];
	_ =	sdelay $0x4  }
0x3f: {  	[tilespmem:$0xDA20] =	vst v5  }
0x40: {  	v5 =	vld [tilespmem:s17+$0xE7A0];
	_ =	sdelay $0x4  }
0x41: {  	[tilespmem:$0xE7A0] =	vst v5  }
0x42: {  	v5 =	vld [tilespmem:s17+$0xDA30];
	_ =	sdelay $0x4  }
0x43: {  	[tilespmem:$0xDA30] =	vst v5  }
0x44: {  	v5 =	vld [tilespmem:s17+$0xE7B0];
	_ =	sdelay $0x4  }
0x45: {  	[tilespmem:$0xE7B0] =	vst v5  }
0x46: {  	v5 =	vld [tilespmem:s17+$0xDA40];
	_ =	sdelay $0x4  }
0x47: {  	[tilespmem:$0xDA40] =	vst v5  }
0x48: {  	v5 =	vld [tilespmem:s17+$0xE7C0];
	_ =	sdelay $0x4  }
0x49: {  	[tilespmem:$0xE7C0] =	vst v5  }
0x4a: {  	v5 =	vld [tilespmem:s17+$0xDA50];
	_ =	sdelay $0x4  }
0x4b: {  	[tilespmem:$0xDA50] =	vst v5  }
0x4c: {  	v5 =	vld [tilespmem:s17+$0xE7D0];
	_ =	sdelay $0x4  }
0x4d: {  	[tilespmem:$0xE7D0] =	vst v5  }
0x4e: {  	v5 =	vld [tilespmem:s17+$0xDA60];
	_ =	sdelay $0x4  }
0x4f: {  	[tilespmem:$0xDA60] =	vst v5  }
0x50: {  	v5 =	vld [tilespmem:s17+$0xE7E0];
	_ =	sdelay $0x4  }
0x51: {  	[tilespmem:$0xE7E0] =	vst v5  }
0x52: {  	v5 =	vld [tilespmem:s17+$0xDA70];
	_ =	sdelay $0x4  }
0x53: {  	[tilespmem:$0xDA70] =	vst v5  }
0x54: {  	p0 =	seq.s32 s16, $0x64;
	v5 =	vld [tilespmem:s17+$0xE7F0]  }
.Ltmp6:
0x55: {  	_ = 	snop;
	(pc) =	sbr.rel @p0 .LBB2_19-.Ltmp6, $2  }
0x56: {  	_ =	sdelay $0x2  }
0x57: {  	s18 =	smov.u32 s16;
	[tilespmem:$0xE7F0] =	vst v5  }
.LBB2_8:
0x58: {  	_ =	swait.ge [sflag:s8], $0xC80;
	p0 =	seq.s32 s18, $0x63  }
.Ltmp7:
0x59: {  	[sflag:s8] =	ssyncset.done $0x0;
	(pc) =	sbr.rel @p0 .LBB2_14-.Ltmp7, $4  }
0x5a: {  	[sflag:s8] =	ssyncadd.s32 $0xFFFFF380  }
0x5b: {  	_ =	swait.ge [sflag:s8], $0xC80  }
0x5c: {  	[sflag:s8] =	ssyncset.done $0x0  }
0x5d: {  	s16 =	sadd.s32 $0x1, s18;
	s17 =	simm.s32 $0x80;
	[sflag:s8] =	ssyncadd.s32 $0xFFFFF380  }
0x5e: {  	s17 =	sshll.u32 s18, $0x7  }
0x5f: {  	s18 =	smul.u32 $0x190, s16;
	s17 =	sand.u32 $0x80, s17  }
0x60: {  	s19 =	sxor.u32 $0x80, s17  }
0x61: {  	s22 =	sadd.s32 s4, s18;
	s21 =	sor.u32 $0xA800, s19  }
0x62: {  	s23 =	simm.s32 $0x10;
	s25 =	sadd.s32 $0x0, s22;
	s24 =	sadd.s32 $0x100, s21  }
.LBB2_10:
0x63: {  	[tilespmem:s21], [sflag:$0x3] =	stream.linear.gather [hbm4b:s25+s2], $0x80, $0x38;
	[tilespmem:$0x17500] =	vst v63  }
0x64: {  	s25 =	smov.u32 s23;
	s21 =	smov.u32 s24;
	p0 =	sne.s32 s23, $0x180  }
.Ltmp8:
0x65: {  	s23 =	sadd.s32 $0x10, s23;
	(pc) =	sbr.rel @p0 .LBB2_10-.Ltmp8, $2  }
0x66: {  	_ =	sdelay $0x2  }
0x67: {  	s24 =	sadd.s32 $0x100, s24;
	s25 =	sadd.s32 s25, s22  }
0x68: {  	[tilespmem:s21], [sflag:$0x3] =	stream.linear.gather [hbm4b:s25+s2], $0x80, $0x38;
	[tilespmem:$0x17500] =	vst v63  }
0x69: {  	s19 =	sor.u32 $0xC100, s19;
	s18 =	sadd.s32 s5, s18  }
0x6a: {  	s21 =	simm.s32 $0x10;
	s23 =	sadd.s32 $0x0, s18;
	s22 =	sadd.s32 $0x100, s19  }
.LBB2_12:
0x6b: {  	[tilespmem:s19], [sflag:$0x3] =	stream.linear.gather [hbm4b:s23+s2], $0x80, $0x38;
	[tilespmem:$0x17500] =	vst v63  }
0x6c: {  	s23 =	smov.u32 s21;
	s19 =	smov.u32 s22;
	p0 =	sne.s32 s21, $0x180  }
.Ltmp9:
0x6d: {  	s21 =	sadd.s32 $0x10, s21;
	(pc) =	sbr.rel @p0 .LBB2_12-.Ltmp9, $2  }
0x6e: {  	_ =	sdelay $0x2  }
0x6f: {  	s22 =	sadd.s32 $0x100, s22;
	s23 =	sadd.s32 s23, s18  }
0x70: {  	[tilespmem:s19], [sflag:$0x3] =	stream.linear.gather [hbm4b:s23+s2], $0x80, $0x38;
	[tilespmem:$0x17500] =	vst v63  }
.LBB2_14:
0x71: {  	s18 =	simm.s32 $0x0  }
0x72: {  	s22 =	sand.u32 $0x40, s18  }
0x73: {  	s21 =	sand.u32 $0x1F00, s18;
	s25 =	sor.u32 s17, s22  }
0x74: {  	s18 =	sor.u32 s21, s25  }
0x75: {  	v5 =	vld [tilespmem:s18+$0xC100];
	_ =	sdelay $0x4  }
0x76: {  	v6 =	vsub.s32 v5, v0;
	v5 =	vsub.s32 v5, v1  }
0x77: {  	v5 =	vshrl.u32 v5, $0x1F;
	vm1 =	vlt.s32 v6, $0x0  }
0x78: {  	v5 =	vsel vm1, $0x0, v5  }
0x79: {  	(xrf0) =	vadd.scan.msk.s32 $0xffff, v5;
	_ =	sdelay $0x2  }
0x7a: {  	v7 =	vmov s20  }
0x7b: {  	v7 =	vadd.s32 $0xFFFFFFFF, v7  }
0x7c: {  	v7 =	vbroadcast v7, $0x0  }
0x7d: {  	v8, _, _ =	vpop (xrf0)  }
0x7e: {  	v9 =	vxor.u32 $0x1, v5;
	v7 =	vadd.s32 v8, v7  }
0x7f: {  	v5 =	vmul.u32 v5, v7;
	v7 =	vmul.u32 $0xD1F, v9;
	_ =	sdelay $0x1  }
0x80: {  	v5 =	vadd.s32 v7, v5  }
0x81: {  	(v2sf) =	vpush v8, $0xF;
	v7 =	vld [tilespmem:s18+$0xA800];
	_ =	sdelay $0x2  }
0x82: {  	s18 =	sor.u32 $0x10, s17  }
0x83: {  	s19 =	sor.u32 s18, s22;
	[tilespmem:v5+s9+$0x0] =	vst.idx.msk $0xffff, v6  }
0x84: {  	s19 =	sor.u32 s21, s19;
	[tilespmem:v5+s10+$0x0] =	vst.idx.msk $0xffff, v7  }
0x85: {  	v5 =	vld [tilespmem:s19+$0xC100];
	_ =	sdelay $0x4  }
0x86: {  	v6 =	vsub.s32 v5, v0;
	v5 =	vsub.s32 v5, v1  }
0x87: {  	v5 =	vshrl.u32 v5, $0x1F;
	vm1 =	vlt.s32 v6, $0x0  }
0x88: {  	v5 =	vsel vm1, $0x0, v5  }
0x89: {  	(xrf0) =	vadd.scan.msk.s32 $0xffff, v5  }
0x8a: {  	s23 =	spop (v2sf)  }
0x8b: {  	s26 =	sadd.s32 s20, s23  }
0x8c: {  	v7 =	vmov s26  }
0x8d: {  	v7 =	vadd.s32 $0xFFFFFFFF, v7  }
0x8e: {  	v7 =	vbroadcast v7, $0x0  }
0x8f: {  	v8, _, _ =	vpop (xrf0)  }
0x90: {  	v61 =	vxor.u32 $0x1, v5;
	v7 =	vadd.s32 v8, v7  }
0x91: {  	v5 =	vmul.u32 v5, v7;
	v7 =	vmul.u32 $0xD1F, v61;
	_ =	sdelay $0x1  }
0x92: {  	v5 =	vadd.s32 v7, v5  }
0x93: {  	(v2sf) =	vpush v8, $0xF;
	v7 =	vld [tilespmem:s19+$0xA800];
	_ =	sdelay $0x2  }
0x94: {  	s19 =	sor.u32 $0x20, s17  }
0x95: {  	s31 =	sor.u32 s19, s22;
	[tilespmem:v5+s9+$0x0] =	vst.idx.msk $0xffff, v6  }
0x96: {  	s23 =	sor.u32 s21, s31;
	[tilespmem:v5+s10+$0x0] =	vst.idx.msk $0xffff, v7  }
0x97: {  	v5 =	vld [tilespmem:s23+$0xC100];
	_ =	sdelay $0x4  }
0x98: {  	v6 =	vsub.s32 v5, v0;
	v5 =	vsub.s32 v5, v1  }
0x99: {  	v5 =	vshrl.u32 v5, $0x1F;
	vm1 =	vlt.s32 v6, $0x0  }
0x9a: {  	v5 =	vsel vm1, $0x0, v5  }
0x9b: {  	(xrf0) =	vadd.scan.msk.s32 $0xffff, v5  }
0x9c: {  	s24 =	spop (v2sf)  }
0x9d: {  	s24 =	sadd.s32 s26, s24  }
0x9e: {  	v7 =	vmov s24  }
0x9f: {  	v7 =	vadd.s32 $0xFFFFFFFF, v7  }
0xa0: {  	v7 =	vbroadcast v7, $0x0  }
0xa1: {  	v8, _, _ =	vpop (xrf0)  }
0xa2: {  	v62 =	vxor.u32 $0x1, v5;
	v7 =	vadd.s32 v8, v7  }
0xa3: {  	v5 =	vmul.u32 v5, v7;
	v7 =	vmul.u32 $0xD1F, v62;
	_ =	sdelay $0x1  }
0xa4: {  	v5 =	vadd.s32 v7, v5  }
0xa5: {  	(v2sf) =	vpush v8, $0xF;
	v7 =	vld [tilespmem:s23+$0xA800];
	_ =	sdelay $0x2  }
0xa6: {  	s20 =	sor.u32 $0x30, s17  }
0xa7: {  	s22 =	sor.u32 s20, s22;
	[tilespmem:v5+s9+$0x0] =	vst.idx.msk $0xffff, v6  }
0xa8: {  	s21 =	sor.u32 s21, s22;
	[tilespmem:v5+s10+$0x0] =	vst.idx.msk $0xffff, v7  }
0xa9: {  	v5 =	vld [tilespmem:s21+$0xC100];
	_ =	sdelay $0x4  }
0xaa: {  	v6 =	vsub.s32 v5, v0;
	v5 =	vsub.s32 v5, v1  }
0xab: {  	v5 =	vshrl.u32 v5, $0x1F;
	vm1 =	vlt.s32 v6, $0x0  }
0xac: {  	v5 =	vsel vm1, $0x0, v5  }
0xad: {  	(xrf0) =	vadd.scan.msk.s32 $0xffff, v5  }
0xae: {  	s23 =	spop (v2sf)  }
0xaf: {  	s28 =	sadd.s32 s24, s23  }
0xb0: {  	v7 =	vmov s28  }
0xb1: {  	v7 =	vadd.s32 $0xFFFFFFFF, v7  }
0xb2: {  	v7 =	vbroadcast v7, $0x0  }
0xb3: {  	v8, _, _ =	vpop (xrf0)  }
0xb4: {  	v63 =	vxor.u32 $0x1, v5;
	v7 =	vadd.s32 v8, v7;
	(v2sf) =	vpush v8, $0xF  }
0xb5: {  	v5 =	vmul.u32 v5, v7;
	v7 =	vmul.u32 $0xD1F, v63;
	_ =	sdelay $0x1  }
0xb6: {  	v5 =	vadd.s32 v7, v5  }
0xb7: {  	v7 =	vld [tilespmem:s21+$0xA800];
	_ =	sdelay $0x1  }
0xb8: {  	s24 =	simm.s32 $0x40  }
0xb9: {  	s22 =	simm.s32 $0x80;
	s25 =	sand.u32 $0x40, s24  }
0xba: {  	s31 =	sor.u32 s17, s25;
	s21 =	sand.u32 $0x1F00, s22;
	[tilespmem:v5+s9+$0x0] =	vst.idx.msk $0xffff, v6  }
0xbb: {  	s30 =	sor.u32 s21, s31;
	[tilespmem:v5+s10+$0x0] =	vst.idx.msk $0xffff, v7  }
0xbc: {  	v6 =	vld [tilespmem:s30+$0xC100];
	_ =	sdelay $0x3  }
0xbd: {  	s24 =	simm.s32 $0x80;
	s29 =	sor.u32 s18, s25  }
0xbe: {  	s26 =	sor.u32 s19, s25;
	s23 =	sor.u32 s20, s25;
	v5 =	vsub.s32 v6, v0;
	v6 =	vsub.s32 v6, v1;
	s25 =	spop (v2sf)  }
.LBB2_15:
0xbf: {  	p0 =	sne.s32 s24, $0xC40  }
0xc0: {  	v6 =	vshrl.u32 v6, $0x1F;
	vm1 =	vlt.s32 v5, $0x0;
	s28 =	sadd.s32 s28, s25;
	s25 =	smov.u32 s24;
	s24 =	sadd.s32 $0x40, s24  }
0xc1: {  	v6 =	vsel vm1, $0x0, v6;
	v7 =	vmov s28  }
0xc2: {  	v7 =	vadd.s32 $0xFFFFFFFF, v7;
	v8 =	vxor.u32 $0x1, v6;
	(xrf0) =	vadd.scan.msk.s32 $0xffff, v6;
	_ =	sdelay $0x4  }
0xc3: {  	v7 =	vbroadcast v7, $0x0  }
0xc4: {  	v9, _, _ =	vpop (xrf0)  }
0xc5: {  	v7 =	vadd.s32 v9, v7;
	(v2sf) =	vpush v9, $0xF  }
0xc6: {  	v6 =	vmul.u32 v6, v7;
	v7 =	vmul.u32 $0xD1F, v8;
	_ =	sdelay $0x1  }
0xc7: {  	v6 =	vadd.s32 v7, v6  }
0xc8: {  	v7 =	vld [tilespmem:s30+$0xA800];
	_ =	sdelay $0x3  }
0xc9: {  	[tilespmem:v6+s9+$0x0] =	vst.idx.msk $0xffff, v5  }
0xca: {  	s29 =	sor.u32 s21, s29;
	[tilespmem:v6+s10+$0x0] =	vst.idx.msk $0xffff, v7  }
0xcb: {  	v5 =	vld [tilespmem:s29+$0xC100];
	_ =	sdelay $0x4  }
0xcc: {  	v6 =	vsub.s32 v5, v0;
	v5 =	vsub.s32 v5, v1;
	s30 =	spop (v2sf)  }
0xcd: {  	s28 =	sadd.s32 s28, s30;
	v5 =	vshrl.u32 v5, $0x1F;
	vm1 =	vlt.s32 v6, $0x0  }
0xce: {  	v5 =	vsel vm1, $0x0, v5;
	v7 =	vmov s28  }
0xcf: {  	v7 =	vadd.s32 $0xFFFFFFFF, v7;
	v8 =	vxor.u32 $0x1, v5;
	(xrf0) =	vadd.scan.msk.s32 $0xffff, v5;
	_ =	sdelay $0x4  }
0xd0: {  	v7 =	vbroadcast v7, $0x0  }
0xd1: {  	v9, _, _ =	vpop (xrf0)  }
0xd2: {  	v7 =	vadd.s32 v9, v7;
	(v2sf) =	vpush v9, $0xF  }
0xd3: {  	v5 =	vmul.u32 v5, v7;
	v7 =	vmul.u32 $0xD1F, v8;
	_ =	sdelay $0x1  }
0xd4: {  	v5 =	vadd.s32 v7, v5  }
0xd5: {  	v7 =	vld [tilespmem:s29+$0xA800];
	_ =	sdelay $0x3  }
0xd6: {  	[tilespmem:v5+s9+$0x0] =	vst.idx.msk $0xffff, v6  }
0xd7: {  	s26 =	sor.u32 s21, s26;
	[tilespmem:v5+s10+$0x0] =	vst.idx.msk $0xffff, v7  }
0xd8: {  	v5 =	vld [tilespmem:s26+$0xC100];
	_ =	sdelay $0x4  }
0xd9: {  	v6 =	vsub.s32 v5, v0;
	v5 =	vsub.s32 v5, v1;
	s29 =	spop (v2sf)  }
0xda: {  	s28 =	sadd.s32 s28, s29;
	v5 =	vshrl.u32 v5, $0x1F;
	vm1 =	vlt.s32 v6, $0x0  }
0xdb: {  	v5 =	vsel vm1, $0x0, v5;
	v7 =	vmov s28  }
0xdc: {  	v7 =	vadd.s32 $0xFFFFFFFF, v7;
	v8 =	vxor.u32 $0x1, v5;
	(xrf0) =	vadd.scan.msk.s32 $0xffff, v5;
	_ =	sdelay $0x4  }
0xdd: {  	v7 =	vbroadcast v7, $0x0  }
0xde: {  	v9, _, _ =	vpop (xrf0)  }
0xdf: {  	v7 =	vadd.s32 v9, v7;
	(v2sf) =	vpush v9, $0xF  }
0xe0: {  	v5 =	vmul.u32 v5, v7;
	v7 =	vmul.u32 $0xD1F, v8;
	_ =	sdelay $0x1  }
0xe1: {  	v5 =	vadd.s32 v7, v5  }
0xe2: {  	v7 =	vld [tilespmem:s26+$0xA800];
	_ =	sdelay $0x3  }
0xe3: {  	[tilespmem:v5+s9+$0x0] =	vst.idx.msk $0xffff, v6  }
0xe4: {  	s21 =	sor.u32 s21, s23;
	[tilespmem:v5+s10+$0x0] =	vst.idx.msk $0xffff, v7  }
0xe5: {  	v5 =	vld [tilespmem:s21+$0xC100]  }
0xe6: {  	v6 =	vld [tilespmem:s21+$0xA800];
	_ =	sdelay $0x3  }
0xe7: {  	v7 =	vsub.s32 v5, v0;
	v5 =	vsub.s32 v5, v1;
	s21 =	spop (v2sf)  }
0xe8: {  	s28 =	sadd.s32 s28, s21;
	v5 =	vshrl.u32 v5, $0x1F;
	vm1 =	vlt.s32 v7, $0x0  }
0xe9: {  	v5 =	vsel vm1, $0x0, v5;
	v8 =	vmov s28  }
0xea: {  	v8 =	vadd.s32 $0xFFFFFFFF, v8;
	v9 =	vxor.u32 $0x1, v5;
	(xrf0) =	vadd.scan.msk.s32 $0xffff, v5;
	_ =	sdelay $0x4  }
0xeb: {  	v8 =	vbroadcast v8, $0x0  }
0xec: {  	v10, _, _ =	vpop (xrf0)  }
0xed: {  	v8 =	vadd.s32 v10, v8;
	(v2sf) =	vpush v10, $0xF  }
0xee: {  	v5 =	vmul.u32 v5, v8;
	v8 =	vmul.u32 $0xD1F, v9;
	_ =	sdelay $0x1  }
0xef: {  	v5 =	vadd.s32 v8, v5;
	_ =	sdelay $0x2  }
0xf0: {  	s22 =	sadd.s32 $0x80, s22  }
0xf1: {  	s23 =	sand.u32 $0x40, s25;
	s21 =	sand.u32 $0x1F00, s22  }
0xf2: {  	s25 =	sor.u32 s17, s23;
	s29 =	sor.u32 s18, s23;
	s26 =	sor.u32 s19, s23;
	[tilespmem:v5+s9+$0x0] =	vst.idx.msk $0xffff, v7  }
0xf3: {  	s23 =	sor.u32 s20, s23;
	s30 =	sor.u32 s21, s25;
	[tilespmem:v5+s10+$0x0] =	vst.idx.msk $0xffff, v6  }
0xf4: {  	v6 =	vld [tilespmem:s30+$0xC100]  }
.Ltmp10:
0xf5: {  	(pc) =	sbr.rel @p0 .LBB2_15-.Ltmp10, $2  }
0xf6: {  	_ =	sdelay $0x2  }
0xf7: {  	v5 =	vsub.s32 v6, v0;
	v6 =	vsub.s32 v6, v1;
	s25 =	spop (v2sf)  }
0xf8: {  	v6 =	vshrl.u32 v6, $0x1F;
	vm1 =	vlt.s32 v5, $0x0  }
0xf9: {  	v6 =	vsel vm1, $0x0, v6  }
0xfa: {  	(xrf0) =	vadd.scan.msk.s32 $0xffff, v6;
	_ =	sdelay $0x1  }
0xfb: {  	s17 =	sadd.s32 s28, s25  }
0xfc: {  	v7 =	vmov s17  }
0xfd: {  	v7 =	vadd.s32 $0xFFFFFFFF, v7  }
0xfe: {  	v7 =	vbroadcast v7, $0x0  }
0xff: {  	v8, _, _ =	vpop (xrf0)  }
0x100: {  	v9 =	vxor.u32 $0x1, v6;
	v7 =	vadd.s32 v8, v7  }
0x101: {  	v6 =	vmul.u32 v6, v7;
	v7 =	vmul.u32 $0xD1F, v9;
	_ =	sdelay $0x1  }
0x102: {  	v6 =	vadd.s32 v7, v6  }
0x103: {  	(v2sf) =	vpush v8, $0xF;
	v7 =	vld [tilespmem:s30+$0xA800];
	_ =	sdelay $0x3  }
0x104: {  	[tilespmem:v6+s9+$0x0] =	vst.idx.msk $0xffff, v5  }
0x105: {  	s18 =	sor.u32 s21, s29;
	[tilespmem:v6+s10+$0x0] =	vst.idx.msk $0xffff, v7  }
0x106: {  	v5 =	vld [tilespmem:s18+$0xC100];
	_ =	sdelay $0x4  }
0x107: {  	v6 =	vsub.s32 v5, v0;
	v5 =	vsub.s32 v5, v1  }
0x108: {  	v5 =	vshrl.u32 v5, $0x1F;
	vm1 =	vlt.s32 v6, $0x0  }
0x109: {  	v5 =	vsel vm1, $0x0, v5  }
0x10a: {  	(xrf0) =	vadd.scan.msk.s32 $0xffff, v5  }
0x10b: {  	s19 =	spop (v2sf)  }
0x10c: {  	s17 =	sadd.s32 s17, s19  }
0x10d: {  	v7 =	vmov s17  }
0x10e: {  	v7 =	vadd.s32 $0xFFFFFFFF, v7  }
0x10f: {  	v7 =	vbroadcast v7, $0x0  }
0x110: {  	v58, _, _ =	vpop (xrf0)  }
0x111: {  	v59 =	vxor.u32 $0x1, v5;
	v7 =	vadd.s32 v58, v7  }
0x112: {  	v5 =	vmul.u32 v5, v7;
	v7 =	vmul.u32 $0xD1F, v59;
	_ =	sdelay $0x1  }
0x113: {  	v5 =	vadd.s32 v7, v5  }
0x114: {  	(v2sf) =	vpush v58, $0xF;
	v7 =	vld [tilespmem:s18+$0xA800];
	_ =	sdelay $0x3  }
0x115: {  	[tilespmem:v5+s9+$0x0] =	vst.idx.msk $0xffff, v6  }
0x116: {  	s26 =	sor.u32 s21, s26;
	[tilespmem:v5+s10+$0x0] =	vst.idx.msk $0xffff, v7  }
0x117: {  	v5 =	vld [tilespmem:s26+$0xC100];
	_ =	sdelay $0x4  }
0x118: {  	v6 =	vsub.s32 v5, v0;
	v5 =	vsub.s32 v5, v1  }
0x119: {  	v5 =	vshrl.u32 v5, $0x1F;
	vm1 =	vlt.s32 v6, $0x0  }
0x11a: {  	v5 =	vsel vm1, $0x0, v5  }
0x11b: {  	(xrf0) =	vadd.scan.msk.s32 $0xffff, v5  }
0x11c: {  	s28 =	spop (v2sf)  }
0x11d: {  	s17 =	sadd.s32 s17, s28  }
0x11e: {  	v7 =	vmov s17  }
0x11f: {  	v7 =	vadd.s32 $0xFFFFFFFF, v7  }
0x120: {  	v7 =	vbroadcast v7, $0x0  }
0x121: {  	v60, _, _ =	vpop (xrf0)  }
0x122: {  	v61 =	vxor.u32 $0x1, v5;
	v7 =	vadd.s32 v60, v7  }
0x123: {  	v5 =	vmul.u32 v5, v7;
	v7 =	vmul.u32 $0xD1F, v61;
	_ =	sdelay $0x1  }
0x124: {  	v5 =	vadd.s32 v7, v5  }
0x125: {  	v7 =	vld [tilespmem:s26+$0xA800];
	_ =	sdelay $0x3  }
0x126: {  	[tilespmem:v5+s9+$0x0] =	vst.idx.msk $0xffff, v6  }
0x127: {  	s29 =	sor.u32 s21, s23;
	[tilespmem:v5+s10+$0x0] =	vst.idx.msk $0xffff, v7  }
0x128: {  	v5 =	vld [tilespmem:s29+$0xC100];
	_ =	sdelay $0x4  }
0x129: {  	v6 =	vsub.s32 v5, v0;
	v5 =	vsub.s32 v5, v1  }
0x12a: {  	v5 =	vshrl.u32 v5, $0x1F;
	vm1 =	vlt.s32 v6, $0x0  }
0x12b: {  	(v2sf) =	vpush v60, $0xF;
	v5 =	vsel vm1, $0x0, v5  }
0x12c: {  	(xrf0) =	vadd.scan.msk.s32 $0xffff, v5;
	_ =	sdelay $0x5  }
0x12d: {  	v7, _, _ =	vpop (xrf0)  }
0x12e: {  	(v2sf) =	vpush v7, $0xF;
	_ =	sdelay $0x6  }
0x12f: {  	s30 =	spop (v2sf)  }
0x130: {  	s17 =	sadd.s32 s17, s30  }
0x131: {  	v62 =	vmov s17  }
0x132: {  	v8 =	vadd.s32 $0xFFFFFFFF, v62  }
0x133: {  	v8 =	vbroadcast v8, $0x0;
	_ =	sdelay $0x1  }
0x134: {  	v63 =	vxor.u32 $0x1, v5;
	v7 =	vadd.s32 v7, v8  }
0x135: {  	v5 =	vmul.u32 v5, v7;
	v7 =	vmul.u32 $0xD1F, v63  }
0x136: {  	s31 =	spop (v2sf)  }
0x137: {  	v5 =	vadd.s32 v7, v5;
	s18 =	sadd.s32 s17, s31  }
0x138: {  	v7 =	vld [tilespmem:s29+$0xA800];
	p0 =	slt.s32 s18, $0x80  }
.Ltmp11:
0x139: {  	_ = 	snop;
	(pc) =	sbr.rel @p0 .LBB2_17-.Ltmp11, $3  }
0x13a: {  	_ =	sdelay $0x1  }
0x13b: {  	[tilespmem:v5+s9+$0x0] =	vst.idx.msk $0xffff, v6  }
0x13c: {  	[tilespmem:v5+s10+$0x0] =	vst.idx.msk $0xffff, v7;
	s17 =	simm.s32 $0x0  }
0x13d: {  	[tilespmem:s12], [sflag:$0x1] =	stream.indirect.gather [hbm4b:s3+s11], $0x80, s10, s11, $0xb8;
	[tilespmem:$0x17500] =	vst v63  }
0x13e: {  	s17 =	simm.s32 $0x0  }
0x13f: {  	s19 =	simm.s32 $0xE780;
	p0 =	por $0x0, $0x0;
	s20 =	smov.u32 s18  }
.LBB2_23:
0x140: {  	s21 =	sshrl.u32 s17, $0x7  }
0x141: {  	s21 =	sand.u32 $0x1, s21  }
0x142: {  	p1 =	slt.u32 s20, $0x100;
	v5 =	vmov s19;
	s25 =	simm.s32 $0x0;
	s22 =	sadd.s32 $0x1, s21  }
0x143: {  	s23 =	simm.s32 @!p1 $0x80;
	s20 =	sxor.u32 @!p1 $0x1, s21;
	_ =	swait.ge [sflag:s22], $0x4000  }
0x144: {  	s21 =	sshll.u32 @!p1 s20, $0xE;
	s20 =	sadd.s32 @!p1 $0x1, s20;
	[sflag:s22] =	ssyncset.done $0x0  }
0x145: {  	s21 =	sadd.s32 @!p1 $0xF500, s21;
	[sflag:s22] =	ssyncadd.s32 $0xFFFFC000;
	s22 =	sadd.s32 @!p1 $0xDA80, s17  }
0x146: {  	[tilespmem:s21], [sflag:s20] =	stream.indirect.gather @!p1 [hbm4b:s3+s23], $0x80, s22, s23, $0xb8;
	[tilespmem:$0x17500] =	vst v63  }
0x147: {  	v6 =	vld.idx.msk [tilespmem:v5+s25+$0x0 ss:$0x1], $0xffff;
	_ =	sdelay $0x4  }
0x148: {  	vm1 =	vgt.s32 v6, $0x0  }
0x149: {  	v6 =	vnsel vm1, $0x0, v6  }
0x14a: {  	v6 =	vmin.u32 v6, $0x140  }
0x14b: {  	v6 =	vshll.u32 v6, $0x7  }
0x14c: {  	(v2sf) =	vpush v6, $0x0;
	_ =	sdelay $0x6  }
0x14d: {  	(v2sf) =	vpush v6, $0x1;
	_ =	sdelay $0x3  }
0x14e: {  	s20 =	simm.s32 $0x1  }
0x14f: {  	s20 =	simm.s32 @!p0 $0x0  }
0x150: {  	s20 =	sshll.u32 s20, $0xE  }
0x151: {  	s20 =	sadd.s32 $0xF900, s20  }
0x152: {  	v7 =	vld [tilespmem:s20+$0xFFFFFC00];
	(v2sf) =	vpush v6, $0x2;
	s26 =	spop (v2sf)  }
0x153: {  	v8 =	vld [tilespmem:s26+$0x0];
	_ =	sdelay $0x4  }
0x154: {  	v7 =	vmax.f32 v8, v7  }
0x155: {  	s28 =	spop (v2sf);
	[tilespmem:s26+$0x0] =	vst v7  }
0x156: {  	(v2sf) =	vpush v6, $0x3;
	v7 =	vld [tilespmem:s28+$0x0]  }
0x157: {  	v51 =	vld [tilespmem:s20+$0xFFFFFC80];
	_ =	sdelay $0x4  }
0x158: {  	v7 =	vmax.f32 v7, v51  }
0x159: {  	s29 =	spop (v2sf);
	[tilespmem:s28+$0x0] =	vst v7  }
0x15a: {  	(v2sf) =	vpush v6, $0x4;
	v7 =	vld [tilespmem:s29+$0x0]  }
0x15b: {  	v52 =	vld [tilespmem:s20+$0xFFFFFD00];
	_ =	sdelay $0x4  }
0x15c: {  	v7 =	vmax.f32 v7, v52  }
0x15d: {  	s30 =	spop (v2sf);
	[tilespmem:s29+$0x0] =	vst v7  }
0x15e: {  	(v2sf) =	vpush v6, $0x5;
	v7 =	vld [tilespmem:s30+$0x0]  }
0x15f: {  	v53 =	vld [tilespmem:s20+$0xFFFFFD80];
	_ =	sdelay $0x4  }
0x160: {  	v7 =	vmax.f32 v7, v53  }
0x161: {  	s31 =	spop (v2sf);
	[tilespmem:s30+$0x0] =	vst v7  }
0x162: {  	(v2sf) =	vpush v6, $0x6;
	v7 =	vld [tilespmem:s31+$0x0]  }
0x163: {  	v54 =	vld [tilespmem:s20+$0xFFFFFE00];
	_ =	sdelay $0x4  }
0x164: {  	v7 =	vmax.f32 v7, v54  }
0x165: {  	s22 =	spop (v2sf);
	[tilespmem:s31+$0x0] =	vst v7  }
0x166: {  	(v2sf) =	vpush v6, $0x7;
	v7 =	vld [tilespmem:s22+$0x0]  }
0x167: {  	v55 =	vld [tilespmem:s20+$0xFFFFFE80];
	_ =	sdelay $0x4  }
0x168: {  	v7 =	vmax.f32 v7, v55  }
0x169: {  	s23 =	spop (v2sf);
	[tilespmem:s22+$0x0] =	vst v7  }
0x16a: {  	(v2sf) =	vpush v6, $0x8;
	v7 =	vld [tilespmem:s23+$0x0]  }
0x16b: {  	v56 =	vld [tilespmem:s20+$0xFFFFFF00];
	_ =	sdelay $0x4  }
0x16c: {  	v7 =	vmax.f32 v7, v56  }
0x16d: {  	s24 =	spop (v2sf);
	[tilespmem:s23+$0x0] =	vst v7  }
0x16e: {  	(v2sf) =	vpush v6, $0x9;
	v7 =	vld [tilespmem:s24+$0x0]  }
0x16f: {  	v57 =	vld [tilespmem:s20+$0xFFFFFF80];
	_ =	sdelay $0x4  }
0x170: {  	v7 =	vmax.f32 v7, v57  }
0x171: {  	s25 =	spop (v2sf);
	[tilespmem:s24+$0x0] =	vst v7  }
0x172: {  	(v2sf) =	vpush v6, $0xA;
	v7 =	vld [tilespmem:s25+$0x0]  }
0x173: {  	v58 =	vld [tilespmem:s20+$0x0];
	_ =	sdelay $0x4  }
0x174: {  	v7 =	vmax.f32 v7, v58  }
0x175: {  	s26 =	spop (v2sf);
	[tilespmem:s25+$0x0] =	vst v7  }
0x176: {  	(v2sf) =	vpush v6, $0xB;
	v7 =	vld [tilespmem:s26+$0x0]  }
0x177: {  	v59 =	vld [tilespmem:s20+$0x80];
	_ =	sdelay $0x4  }
0x178: {  	v7 =	vmax.f32 v7, v59  }
0x179: {  	s28 =	spop (v2sf);
	[tilespmem:s26+$0x0] =	vst v7  }
0x17a: {  	(v2sf) =	vpush v6, $0xC;
	v7 =	vld [tilespmem:s28+$0x0]  }
0x17b: {  	v60 =	vld [tilespmem:s20+$0x100];
	_ =	sdelay $0x4  }
0x17c: {  	v7 =	vmax.f32 v7, v60  }
0x17d: {  	s29 =	spop (v2sf);
	[tilespmem:s28+$0x0] =	vst v7  }
0x17e: {  	(v2sf) =	vpush v6, $0xD;
	v7 =	vld [tilespmem:s29+$0x0]  }
0x17f: {  	v61 =	vld [tilespmem:s20+$0x180];
	_ =	sdelay $0x4  }
0x180: {  	v7 =	vmax.f32 v7, v61  }
0x181: {  	s30 =	spop (v2sf);
	[tilespmem:s29+$0x0] =	vst v7  }
0x182: {  	(v2sf) =	vpush v6, $0xE;
	v7 =	vld [tilespmem:s30+$0x0]  }
0x183: {  	v62 =	vld [tilespmem:s20+$0x200];
	_ =	sdelay $0x4  }
0x184: {  	v7 =	vmax.f32 v7, v62  }
0x185: {  	[tilespmem:s30+$0x0] =	vst v7;
	s31 =	spop (v2sf)  }
0x186: {  	v7 =	vld [tilespmem:s31+$0x0]  }
0x187: {  	(v2sf) =	vpush v6, $0xF;
	v63 =	vld [tilespmem:s20+$0x280];
	_ =	sdelay $0x4  }
0x188: {  	v7 =	vmax.f32 v7, v63  }
0x189: {  	s21 =	smov.u32 s20;
	s22 =	simm.s32 $0x40;
	s23 =	spop (v2sf);
	[tilespmem:s31+$0x0] =	vst v7  }
.LBB2_24:
0x18a: {  	p1 =	sne.s32 s22, $0x1C0  }
0x18b: {  	v6 =	vld [tilespmem:s23+$0x0];
	s20 =	sadd.s32 $0x800, s20;
	s24 =	smov.u32 s22;
	s22 =	sadd.s32 $0x40, s22  }
0x18c: {  	v7 =	vld [tilespmem:s21+$0x300];
	_ =	sdelay $0x4  }
0x18d: {  	v6 =	vmax.f32 v6, v7  }
0x18e: {  	[tilespmem:s23+$0x0] =	vst v6;
	s23 =	spop (v2sf)  }
0x18f: {  	v6 =	vld [tilespmem:s23+$0x0]  }
0x190: {  	v7 =	vld [tilespmem:s21+$0x380];
	s21 =	smov.u32 s20;
	_ =	sdelay $0x4  }
0x191: {  	v6 =	vmax.f32 v6, v7  }
0x192: {  	s24 =	sshra.s32 s24, $0x2;
	[tilespmem:s23+$0x0] =	vst v6  }
0x193: {  	v6 =	vld.idx.msk [tilespmem:v5+s24+$0x0 ss:$0x1], $0xffff;
	_ =	sdelay $0x5  }
0x194: {  	vm1 =	vgt.s32 v6, $0x0  }
0x195: {  	v6 =	vnsel vm1, $0x0, v6  }
0x196: {  	v6 =	vmin.u32 v6, $0x140  }
0x197: {  	v6 =	vshll.u32 v6, $0x7  }
0x198: {  	(v2sf) =	vpush v6, $0x0;
	_ =	sdelay $0x6  }
0x199: {  	(v2sf) =	vpush v6, $0x1;
	_ =	sdelay $0x7  }
0x19a: {  	v7 =	vld [tilespmem:s20+$0xFFFFFC00];
	s23 =	spop (v2sf);
	(v2sf) =	vpush v6, $0x2  }
0x19b: {  	v8 =	vld [tilespmem:s23+$0x0];
	_ =	sdelay $0x4  }
0x19c: {  	v7 =	vmax.f32 v8, v7  }
0x19d: {  	[tilespmem:s23+$0x0] =	vst v7;
	s23 =	spop (v2sf)  }
0x19e: {  	v7 =	vld [tilespmem:s23+$0x0];
	(v2sf) =	vpush v6, $0x3  }
0x19f: {  	v8 =	vld [tilespmem:s20+$0xFFFFFC80];
	_ =	sdelay $0x4  }
0x1a0: {  	v7 =	vmax.f32 v7, v8  }
0x1a1: {  	[tilespmem:s23+$0x0] =	vst v7;
	s23 =	spop (v2sf)  }
0x1a2: {  	v7 =	vld [tilespmem:s23+$0x0];
	(v2sf) =	vpush v6, $0x4  }
0x1a3: {  	v8 =	vld [tilespmem:s20+$0xFFFFFD00];
	_ =	sdelay $0x4  }
0x1a4: {  	v7 =	vmax.f32 v7, v8  }
0x1a5: {  	[tilespmem:s23+$0x0] =	vst v7;
	s23 =	spop (v2sf)  }
0x1a6: {  	v7 =	vld [tilespmem:s23+$0x0];
	(v2sf) =	vpush v6, $0x5  }
0x1a7: {  	v8 =	vld [tilespmem:s20+$0xFFFFFD80];
	_ =	sdelay $0x4  }
0x1a8: {  	v7 =	vmax.f32 v7, v8  }
0x1a9: {  	[tilespmem:s23+$0x0] =	vst v7;
	s23 =	spop (v2sf)  }
0x1aa: {  	v7 =	vld [tilespmem:s23+$0x0];
	(v2sf) =	vpush v6, $0x6  }
0x1ab: {  	v8 =	vld [tilespmem:s20+$0xFFFFFE00];
	_ =	sdelay $0x4  }
0x1ac: {  	v7 =	vmax.f32 v7, v8  }
0x1ad: {  	[tilespmem:s23+$0x0] =	vst v7;
	s23 =	spop (v2sf)  }
0x1ae: {  	v7 =	vld [tilespmem:s23+$0x0];
	(v2sf) =	vpush v6, $0x7  }
0x1af: {  	v8 =	vld [tilespmem:s20+$0xFFFFFE80];
	_ =	sdelay $0x4  }
0x1b0: {  	v7 =	vmax.f32 v7, v8  }
0x1b1: {  	[tilespmem:s23+$0x0] =	vst v7;
	s23 =	spop (v2sf)  }
0x1b2: {  	v7 =	vld [tilespmem:s23+$0x0];
	(v2sf) =	vpush v6, $0x8  }
0x1b3: {  	v8 =	vld [tilespmem:s20+$0xFFFFFF00];
	_ =	sdelay $0x4  }
0x1b4: {  	v7 =	vmax.f32 v7, v8  }
0x1b5: {  	[tilespmem:s23+$0x0] =	vst v7;
	s23 =	spop (v2sf)  }
0x1b6: {  	v7 =	vld [tilespmem:s23+$0x0];
	(v2sf) =	vpush v6, $0x9  }
0x1b7: {  	v8 =	vld [tilespmem:s20+$0xFFFFFF80];
	_ =	sdelay $0x4  }
0x1b8: {  	v7 =	vmax.f32 v7, v8  }
0x1b9: {  	[tilespmem:s23+$0x0] =	vst v7;
	s23 =	spop (v2sf)  }
0x1ba: {  	v7 =	vld [tilespmem:s23+$0x0];
	(v2sf) =	vpush v6, $0xA  }
0x1bb: {  	v8 =	vld [tilespmem:s20+$0x0];
	_ =	sdelay $0x4  }
0x1bc: {  	v7 =	vmax.f32 v7, v8  }
0x1bd: {  	[tilespmem:s23+$0x0] =	vst v7;
	s23 =	spop (v2sf)  }
0x1be: {  	v7 =	vld [tilespmem:s23+$0x0];
	(v2sf) =	vpush v6, $0xB  }
0x1bf: {  	v8 =	vld [tilespmem:s20+$0x80];
	_ =	sdelay $0x4  }
0x1c0: {  	v7 =	vmax.f32 v7, v8  }
0x1c1: {  	[tilespmem:s23+$0x0] =	vst v7;
	s23 =	spop (v2sf)  }
0x1c2: {  	v7 =	vld [tilespmem:s23+$0x0];
	(v2sf) =	vpush v6, $0xC  }
0x1c3: {  	v8 =	vld [tilespmem:s20+$0x100];
	_ =	sdelay $0x4  }
0x1c4: {  	v7 =	vmax.f32 v7, v8  }
0x1c5: {  	[tilespmem:s23+$0x0] =	vst v7;
	s23 =	spop (v2sf)  }
0x1c6: {  	v7 =	vld [tilespmem:s23+$0x0];
	(v2sf) =	vpush v6, $0xD  }
0x1c7: {  	v8 =	vld [tilespmem:s20+$0x180];
	_ =	sdelay $0x4  }
0x1c8: {  	v7 =	vmax.f32 v7, v8  }
0x1c9: {  	[tilespmem:s23+$0x0] =	vst v7;
	s23 =	spop (v2sf)  }
0x1ca: {  	v7 =	vld [tilespmem:s23+$0x0];
	(v2sf) =	vpush v6, $0xE  }
0x1cb: {  	v8 =	vld [tilespmem:s20+$0x200];
	_ =	sdelay $0x4  }
0x1cc: {  	v7 =	vmax.f32 v7, v8  }
0x1cd: {  	[tilespmem:s23+$0x0] =	vst v7;
	s23 =	spop (v2sf)  }
0x1ce: {  	v7 =	vld [tilespmem:s23+$0x0];
	(v2sf) =	vpush v6, $0xF  }
0x1cf: {  	v6 =	vld [tilespmem:s20+$0x280];
	_ =	sdelay $0x1  }
.Ltmp12:
0x1d0: {  	(pc) =	sbr.rel @p1 .LBB2_24-.Ltmp12, $3  }
0x1d1: {  	_ =	sdelay $0x1  }
0x1d2: {  	v6 =	vmax.f32 v7, v6  }
0x1d3: {  	[tilespmem:s23+$0x0] =	vst v6;
	s23 =	spop (v2sf)  }
0x1d4: {  	v5 =	vld [tilespmem:s23+$0x0]  }
0x1d5: {  	v6 =	vld [tilespmem:s21+$0x300];
	_ =	sdelay $0x4  }
0x1d6: {  	v5 =	vmax.f32 v5, v6  }
0x1d7: {  	[tilespmem:s23+$0x0] =	vst v5  }
0x1d8: {  	s17 =	sadd.s32 $0x80, s17;
	s22 =	spop (v2sf);
	v6 =	vld [tilespmem:s21+$0x380]  }
0x1d9: {  	s20 =	ssub.s32 s18, s17;
	v5 =	vld [tilespmem:s22+$0x0]  }
0x1da: {  	p1 =	sgt.s32 s20, $0x7F  }
.Ltmp13:
0x1db: {  	_ = 	snop;
	(pc) =	sbr.rel @p1 .LBB2_23-.Ltmp13, $4  }
.Ltmp14:
0x1dc: {  	_ = 	snop;
	(pc) =	sbr.rel @!p1 .LBB2_18-.Ltmp14, $4  }
0x1dd: {  	_ = 	snop  }
0x1de: {  	v5 =	vmax.f32 v5, v6  }
0x1df: {  	s19 =	sadd.s32 $0x80, s19;
	p0 =	por !p0, !p0;
	[tilespmem:s22+$0x0] =	vst v5  }
0x1e0: {  	_ = 	snop  }
.LBB2_19:
0x1e1: {  	s16 =	sadd.s32 $0xF, s20  }
0x1e2: {  	s17 =	sand.u32 $0xF, s16  }
0x1e3: {  	p1 =	slt.s32 s20, $0xFFFFFFF2;
	s31 =	sshra.s32 s16, $0x1F;
	p0 =	sne.s32 s17, $0x0  }
0x1e4: {  	s17 =	sshrl.u32 s31, $0x1C;
	p0 =	por !p1, !p0  }
0x1e5: {  	s16 =	sadd.s32 s17, s16;
	s17 =	simm.s32 $0x1;
	p0 =	por !p0, !p0  }
0x1e6: {  	s16 =	sshra.s32 s16, $0x4;
	s17 =	simm.s32 @!p0 $0x0  }
0x1e7: {  	s17 =	ssub.s32 s16, s17  }
0x1e8: {  	p0 =	slt.s32 s17, $0x1  }
.Ltmp15:
0x1e9: {  	_ = 	snop;
	(pc) =	sbr.rel @p0 .LBB2_34-.Ltmp15, $3  }
0x1ea: {  	_ =	sdelay $0x1  }
0x1eb: {  	[tilespmem:s20+$0xE780] =	vst v3  }
0x1ec: {  	[tilespmem:s20+$0xDA00] =	vst v4  }
0x1ed: {  	p0 =	sne.s32 s17, $0x1  }
.Ltmp16:
0x1ee: {  	_ = 	snop;
	(pc) =	sbr.rel @!p0 .LBB2_21-.Ltmp16, $3  }
0x1ef: {  	_ =	sdelay $0x1  }
0x1f0: {  	s16 =	simm.s32 $0xDA00  }
0x1f1: {  	s18 =	simm.s32 $0xF500;
	p1 =	por $0x0, $0x0;
	v5 =	vld [tilespmem:s16+$0x0];
	s16 =	sadd.s32 $0xFFFFFFFF, s17  }
0x1f2: {  	_ =	sdelay $0x3  }
0x1f3: {  	vm1 =	vgt.s32 v5, $0x0  }
0x1f4: {  	v5 =	vnsel vm1, $0x0, v5  }
0x1f5: {  	v5 =	vmin.u32 v5, $0x270F  }
0x1f6: {  	p2 =	sne.s32 s16, $0x1  }
.Ltmp17:
0x1f7: {  	_ = 	snop;
	(pc) =	sbr.rel @!p2 .LBB2_27-.Ltmp17, $4  }
0x1f8: {  	_ = 	snop  }
0x1f9: {  	s20 =	simm.s32 $0xDA10  }
0x1fa: {  	[tilespmem:s18], [sflag:$0x1] =	stream.indirect_vreg.gather [hbm4b:s3+s2], $0x80, v5, vm0, $0xb8;
	[tilespmem:$0x17500] =	vst v63  }
0x1fb: {  	s21 =	sadd.s32 $0xFFFFFFFF, s16;
	p1 =	por $0x1, $0x1;
	s19 =	simm.s32 $0xF500;
	v5 =	vld [tilespmem:s20+$0x0]  }
.LBB2_28:
0x1fc: {  	p2 =	sne.s32 s21, $0x1;
	_ =	sdelay $0x3  }
0x1fd: {  	vm1 =	vgt.s32 v5, $0x0  }
0x1fe: {  	v5 =	vnsel vm1, $0x0, v5  }
0x1ff: {  	v5 =	vmin.u32 v5, $0x270F;
	_ =	sdelay $0x1  }
.Ltmp18:
0x200: {  	(pc) =	sbr.rel @p2 .LBB2_28-.Ltmp18, $4  }
0x201: {  	_ = 	snop  }
0x202: {  	s20 =	sadd.s32 $0x10, s20;
	s19 =	sadd.s32 $0x800, s19  }
0x203: {  	[tilespmem:s19], [sflag:$0x1] =	stream.indirect_vreg.gather [hbm4b:s3+s2], $0x80, v5, vm0, $0xb8;
	[tilespmem:$0x17500] =	vst v63  }
0x204: {  	s21 =	sadd.s32 $0xFFFFFFFF, s21;
	v5 =	vld [tilespmem:s20+$0x0]  }
.LBB2_29:
0x205: {  	_ =	sdelay $0x3  }
0x206: {  	vm1 =	vgt.s32 v5, $0x0  }
0x207: {  	v5 =	vnsel vm1, $0x0, v5  }
0x208: {  	v5 =	vmin.u32 v5, $0x270F;
	_ =	sdelay $0x2  }
0x209: {  	s19 =	sadd.s32 @p1 $0x800, s19  }
0x20a: {  	s18 =	smov.u32 @p1 s19  }
0x20b: {  	[tilespmem:s18], [sflag:$0x1] =	stream.indirect_vreg.gather [hbm4b:s3+s2], $0x80, v5, vm0, $0xb8;
	[tilespmem:$0x17500] =	vst v63  }
.LBB2_30:
0x20c: {  	p1 =	sne.s32 s17, $0x1  }
.Ltmp19:
0x20d: {  	_ = 	snop;
	(pc) =	sbr.rel @p1 .LBB2_30-.Ltmp19, $4  }
0x20e: {  	_ = 	snop  }
0x20f: {  	_ =	swait.ge [sflag:s13], $0x800  }
0x210: {  	[sflag:s13] =	ssyncset.done $0x0  }
0x211: {  	s17 =	sadd.s32 $0xFFFFFFFF, s17;
	[sflag:s13] =	ssyncadd.s32 $0xFFFFF800  }
0x212: {  	s17 =	simm.s32 $0xE780  }
0x213: {  	v5 =	vld [tilespmem:s17+$0x0];
	_ =	sdelay $0x4  }
0x214: {  	vm1 =	vgt.s32 v5, $0x0  }
0x215: {  	v5 =	vnsel vm1, $0x0, v5  }
0x216: {  	v5 =	vmin.u32 v5, $0x140  }
0x217: {  	v5 =	vshll.u32 v5, $0x7  }
0x218: {  	(v2sf) =	vpush v5, $0x0;
	_ =	sdelay $0x6  }
0x219: {  	(v2sf) =	vpush v5, $0x1;
	_ =	sdelay $0x6  }
0x21a: {  	s18 =	simm.s32 $0xF900  }
0x21b: {  	v6 =	vld [tilespmem:s18+$0xFFFFFC00];
	(v2sf) =	vpush v5, $0x2;
	s19 =	spop (v2sf)  }
0x21c: {  	v7 =	vld [tilespmem:s19+$0x0];
	_ =	sdelay $0x4  }
0x21d: {  	v6 =	vmax.f32 v7, v6  }
0x21e: {  	s30 =	spop (v2sf);
	[tilespmem:s19+$0x0] =	vst v6  }
0x21f: {  	(v2sf) =	vpush v5, $0x3;
	v6 =	vld [tilespmem:s30+$0x0]  }
0x220: {  	v7 =	vld [tilespmem:s18+$0xFFFFFC80];
	_ =	sdelay $0x4  }
0x221: {  	v6 =	vmax.f32 v6, v7  }
0x222: {  	s31 =	spop (v2sf);
	[tilespmem:s30+$0x0] =	vst v6  }
0x223: {  	(v2sf) =	vpush v5, $0x4;
	v6 =	vld [tilespmem:s31+$0x0]  }
0x224: {  	v7 =	vld [tilespmem:s18+$0xFFFFFD00];
	_ =	sdelay $0x4  }
0x225: {  	v6 =	vmax.f32 v6, v7  }
0x226: {  	s20 =	spop (v2sf);
	[tilespmem:s31+$0x0] =	vst v6  }
0x227: {  	(v2sf) =	vpush v5, $0x5;
	v6 =	vld [tilespmem:s20+$0x0]  }
0x228: {  	v7 =	vld [tilespmem:s18+$0xFFFFFD80];
	_ =	sdelay $0x4  }
0x229: {  	v6 =	vmax.f32 v6, v7  }
0x22a: {  	s21 =	spop (v2sf);
	[tilespmem:s20+$0x0] =	vst v6  }
0x22b: {  	(v2sf) =	vpush v5, $0x6;
	v6 =	vld [tilespmem:s21+$0x0]  }
0x22c: {  	v7 =	vld [tilespmem:s18+$0xFFFFFE00];
	_ =	sdelay $0x4  }
0x22d: {  	v6 =	vmax.f32 v6, v7  }
0x22e: {  	s22 =	spop (v2sf);
	[tilespmem:s21+$0x0] =	vst v6  }
0x22f: {  	(v2sf) =	vpush v5, $0x7;
	v6 =	vld [tilespmem:s22+$0x0]  }
0x230: {  	v7 =	vld [tilespmem:s18+$0xFFFFFE80];
	_ =	sdelay $0x4  }
0x231: {  	v6 =	vmax.f32 v6, v7  }
0x232: {  	s23 =	spop (v2sf);
	[tilespmem:s22+$0x0] =	vst v6  }
0x233: {  	(v2sf) =	vpush v5, $0x8;
	v6 =	vld [tilespmem:s23+$0x0]  }
0x234: {  	v7 =	vld [tilespmem:s18+$0xFFFFFF00];
	_ =	sdelay $0x4  }
0x235: {  	v6 =	vmax.f32 v6, v7  }
0x236: {  	s24 =	spop (v2sf);
	[tilespmem:s23+$0x0] =	vst v6  }
0x237: {  	(v2sf) =	vpush v5, $0x9;
	v6 =	vld [tilespmem:s24+$0x0]  }
0x238: {  	v7 =	vld [tilespmem:s18+$0xFFFFFF80];
	_ =	sdelay $0x4  }
0x239: {  	v6 =	vmax.f32 v6, v7  }
0x23a: {  	s25 =	spop (v2sf);
	[tilespmem:s24+$0x0] =	vst v6  }
0x23b: {  	(v2sf) =	vpush v5, $0xA;
	v6 =	vld [tilespmem:s25+$0x0]  }
0x23c: {  	v7 =	vld [tilespmem:s18+$0x0];
	_ =	sdelay $0x4  }
0x23d: {  	v6 =	vmax.f32 v6, v7  }
0x23e: {  	s26 =	spop (v2sf);
	[tilespmem:s25+$0x0] =	vst v6  }
0x23f: {  	(v2sf) =	vpush v5, $0xB;
	v6 =	vld [tilespmem:s26+$0x0]  }
0x240: {  	v7 =	vld [tilespmem:s18+$0x80];
	_ =	sdelay $0x4  }
0x241: {  	v6 =	vmax.f32 v6, v7  }
0x242: {  	s28 =	spop (v2sf);
	[tilespmem:s26+$0x0] =	vst v6  }
0x243: {  	(v2sf) =	vpush v5, $0xC;
	v6 =	vld [tilespmem:s28+$0x0]  }
0x244: {  	v7 =	vld [tilespmem:s18+$0x100];
	_ =	sdelay $0x4  }
0x245: {  	v6 =	vmax.f32 v6, v7  }
0x246: {  	s29 =	spop (v2sf);
	[tilespmem:s28+$0x0] =	vst v6  }
0x247: {  	(v2sf) =	vpush v5, $0xD;
	v6 =	vld [tilespmem:s29+$0x0]  }
0x248: {  	v7 =	vld [tilespmem:s18+$0x180];
	_ =	sdelay $0x4  }
0x249: {  	v6 =	vmax.f32 v6, v7  }
0x24a: {  	s30 =	spop (v2sf);
	[tilespmem:s29+$0x0] =	vst v6  }
0x24b: {  	(v2sf) =	vpush v5, $0xE;
	v6 =	vld [tilespmem:s30+$0x0]  }
0x24c: {  	v7 =	vld [tilespmem:s18+$0x200];
	_ =	sdelay $0x4  }
0x24d: {  	v6 =	vmax.f32 v6, v7  }
0x24e: {  	[tilespmem:s30+$0x0] =	vst v6;
	s31 =	spop (v2sf)  }
0x24f: {  	(v2sf) =	vpush v5, $0xF;
	v6 =	vld [tilespmem:s31+$0x0]  }
0x250: {  	v7 =	vld [tilespmem:s18+$0x280];
	_ =	sdelay $0x1  }
.Ltmp20:
0x251: {  	_ = 	snop;
	(pc) =	sbr.rel @!p0 .LBB2_33-.Ltmp20, $3  }
0x252: {  	_ =	sdelay $0x1  }
0x253: {  	v6 =	vmax.f32 v6, v7  }
0x254: {  	s19 =	simm.s32 $0xF900;
	s20 =	spop (v2sf);
	[tilespmem:s31+$0x0] =	vst v6  }
.LBB2_32:
0x255: {  	p0 =	sne.s32 s16, $0x1;
	v5 =	vld [tilespmem:s20+$0x0];
	s17 =	sadd.s32 $0x10, s17;
	s19 =	sadd.s32 $0x800, s19  }
0x256: {  	s16 =	sadd.s32 $0xFFFFFFFF, s16;
	v6 =	vld [tilespmem:s18+$0x300];
	_ =	sdelay $0x4  }
0x257: {  	v5 =	vmax.f32 v5, v6  }
0x258: {  	[tilespmem:s20+$0x0] =	vst v5;
	s20 =	spop (v2sf)  }
0x259: {  	v5 =	vld [tilespmem:s20+$0x0]  }
0x25a: {  	v6 =	vld [tilespmem:s18+$0x380];
	s18 =	smov.u32 s19;
	_ =	sdelay $0x4  }
0x25b: {  	v5 =	vmax.f32 v5, v6  }
0x25c: {  	[tilespmem:s20+$0x0] =	vst v5  }
0x25d: {  	v5 =	vld [tilespmem:s17+$0x0];
	_ =	sdelay $0x4  }
0x25e: {  	vm1 =	vgt.s32 v5, $0x0  }
0x25f: {  	v5 =	vnsel vm1, $0x0, v5  }
0x260: {  	v5 =	vmin.u32 v5, $0x140  }
0x261: {  	v5 =	vshll.u32 v5, $0x7  }
0x262: {  	(v2sf) =	vpush v5, $0x0;
	_ =	sdelay $0x6  }
0x263: {  	(v2sf) =	vpush v5, $0x1;
	_ =	sdelay $0x7  }
0x264: {  	v6 =	vld [tilespmem:s19+$0xFFFFFC00];
	s20 =	spop (v2sf);
	(v2sf) =	vpush v5, $0x2  }
0x265: {  	v7 =	vld [tilespmem:s20+$0x0];
	_ =	sdelay $0x4  }
0x266: {  	v6 =	vmax.f32 v7, v6  }
0x267: {  	[tilespmem:s20+$0x0] =	vst v6;
	s20 =	spop (v2sf)  }
0x268: {  	v6 =	vld [tilespmem:s20+$0x0];
	(v2sf) =	vpush v5, $0x3  }
0x269: {  	v7 =	vld [tilespmem:s19+$0xFFFFFC80];
	_ =	sdelay $0x4  }
0x26a: {  	v6 =	vmax.f32 v6, v7  }
0x26b: {  	[tilespmem:s20+$0x0] =	vst v6;
	s20 =	spop (v2sf)  }
0x26c: {  	v6 =	vld [tilespmem:s20+$0x0];
	(v2sf) =	vpush v5, $0x4  }
0x26d: {  	v7 =	vld [tilespmem:s19+$0xFFFFFD00];
	_ =	sdelay $0x4  }
0x26e: {  	v6 =	vmax.f32 v6, v7  }
0x26f: {  	[tilespmem:s20+$0x0] =	vst v6;
	s20 =	spop (v2sf)  }
0x270: {  	v6 =	vld [tilespmem:s20+$0x0];
	(v2sf) =	vpush v5, $0x5  }
0x271: {  	v7 =	vld [tilespmem:s19+$0xFFFFFD80];
	_ =	sdelay $0x4  }
0x272: {  	v6 =	vmax.f32 v6, v7  }
0x273: {  	[tilespmem:s20+$0x0] =	vst v6;
	s20 =	spop (v2sf)  }
0x274: {  	v6 =	vld [tilespmem:s20+$0x0];
	(v2sf) =	vpush v5, $0x6  }
0x275: {  	v7 =	vld [tilespmem:s19+$0xFFFFFE00];
	_ =	sdelay $0x4  }
0x276: {  	v6 =	vmax.f32 v6, v7  }
0x277: {  	[tilespmem:s20+$0x0] =	vst v6;
	s20 =	spop (v2sf)  }
0x278: {  	v6 =	vld [tilespmem:s20+$0x0];
	(v2sf) =	vpush v5, $0x7  }
0x279: {  	v7 =	vld [tilespmem:s19+$0xFFFFFE80];
	_ =	sdelay $0x4  }
0x27a: {  	v6 =	vmax.f32 v6, v7  }
0x27b: {  	[tilespmem:s20+$0x0] =	vst v6;
	s20 =	spop (v2sf)  }
0x27c: {  	v6 =	vld [tilespmem:s20+$0x0];
	(v2sf) =	vpush v5, $0x8  }
0x27d: {  	v7 =	vld [tilespmem:s19+$0xFFFFFF00];
	_ =	sdelay $0x4  }
0x27e: {  	v6 =	vmax.f32 v6, v7  }
0x27f: {  	[tilespmem:s20+$0x0] =	vst v6;
	s20 =	spop (v2sf)  }
0x280: {  	v6 =	vld [tilespmem:s20+$0x0];
	(v2sf) =	vpush v5, $0x9  }
0x281: {  	v7 =	vld [tilespmem:s19+$0xFFFFFF80];
	_ =	sdelay $0x4  }
0x282: {  	v6 =	vmax.f32 v6, v7  }
0x283: {  	[tilespmem:s20+$0x0] =	vst v6;
	s20 =	spop (v2sf)  }
0x284: {  	v6 =	vld [tilespmem:s20+$0x0];
	(v2sf) =	vpush v5, $0xA  }
0x285: {  	v7 =	vld [tilespmem:s19+$0x0];
	_ =	sdelay $0x4  }
0x286: {  	v6 =	vmax.f32 v6, v7  }
0x287: {  	[tilespmem:s20+$0x0] =	vst v6;
	s20 =	spop (v2sf)  }
0x288: {  	v6 =	vld [tilespmem:s20+$0x0];
	(v2sf) =	vpush v5, $0xB  }
0x289: {  	v7 =	vld [tilespmem:s19+$0x80];
	_ =	sdelay $0x4  }
0x28a: {  	v6 =	vmax.f32 v6, v7  }
0x28b: {  	[tilespmem:s20+$0x0] =	vst v6;
	s20 =	spop (v2sf)  }
0x28c: {  	v6 =	vld [tilespmem:s20+$0x0];
	(v2sf) =	vpush v5, $0xC  }
0x28d: {  	v7 =	vld [tilespmem:s19+$0x100];
	_ =	sdelay $0x4  }
0x28e: {  	v6 =	vmax.f32 v6, v7  }
0x28f: {  	[tilespmem:s20+$0x0] =	vst v6;
	s20 =	spop (v2sf)  }
0x290: {  	v6 =	vld [tilespmem:s20+$0x0];
	(v2sf) =	vpush v5, $0xD  }
0x291: {  	v7 =	vld [tilespmem:s19+$0x180];
	_ =	sdelay $0x4  }
0x292: {  	v6 =	vmax.f32 v6, v7  }
0x293: {  	[tilespmem:s20+$0x0] =	vst v6;
	s20 =	spop (v2sf)  }
0x294: {  	v6 =	vld [tilespmem:s20+$0x0];
	(v2sf) =	vpush v5, $0xE  }
0x295: {  	v7 =	vld [tilespmem:s19+$0x200];
	_ =	sdelay $0x4  }
0x296: {  	v6 =	vmax.f32 v6, v7  }
0x297: {  	[tilespmem:s20+$0x0] =	vst v6;
	s20 =	spop (v2sf)  }
0x298: {  	v6 =	vld [tilespmem:s20+$0x0];
	(v2sf) =	vpush v5, $0xF  }
0x299: {  	v5 =	vld [tilespmem:s19+$0x280];
	_ =	sdelay $0x1  }
.Ltmp21:
0x29a: {  	(pc) =	sbr.rel @p0 .LBB2_32-.Ltmp21, $3  }
0x29b: {  	_ =	sdelay $0x1  }
0x29c: {  	v5 =	vmax.f32 v6, v5  }
0x29d: {  	[tilespmem:s20+$0x0] =	vst v5;
	s20 =	spop (v2sf)  }
.Ltmp22:
0x29e: {  	_ = 	snop;
	(pc) =	sbr.rel .LBB2_33-.Ltmp22, $1  }
0x29f: {  	_ =	sdelay $0x3  }
.LBB2_21:
.Ltmp23:
0x2a0: {  	(pc) =	sbr.rel .LBB2_29-.Ltmp23, $2  }
0x2a1: {  	_ =	sdelay $0x2  }
0x2a2: {  	s19 =	simm.s32 $0xF500  }
.LBB2_27:
.Ltmp24:
0x2a3: {  	(pc) =	sbr.rel .LBB2_29-.Ltmp24, $2  }
0x2a4: {  	_ =	sdelay $0x2  }
0x2a5: {  	s19 =	simm.s32 $0xF500  }
.LBB2_35:
0x2a6: {  	_ =	sfence.sel $0x180000  }
0x2a7: {  	[bflag:$0x0] =	sbarrier.arrive $0xFFFF  }
0x2a8: {  	p0 =	sne.s32 s1, $0x0;
	_ =	strace $0x90000047  }
0x2a9: {  	s0 =	sadd.s32 @!p0 $0x100000, s0;
	[bflag:$0x2] =	sbarrier.arrive $0xFFFF  }
0x2aa: {  	[sflag:s0] =	ssyncadd.tile.s32 @!p0 $0x1;
	_ =	shalt  }
.Lfunc_end2:
_tile_overlayer_lowered:
.L_overlay_start_2:
0x2ab: {  	(tag) =	ssettag $0x2  }
0x2ac: {  	s0 =	rddreg [dreg:$0x0];
	s2 =	stileid.u32  }
0x2ad: {  	s1 =	rddreg [dreg:$0x1];
	p0 =	sne.s32 s2, $0x0  }
0x2ae: {  	s3 =	rddreg [dreg:$0x2];
	[bflag:$0x3] =	sbarrier.arrive $0xFFFF;
	s2 =	simm.s32 @!p0 $0x1C04  }
0x2af: {  	[timem:s3], [sflag:s2] =	dma.local @!p0 [hbm:s0], s1  }
0x2b0: {  	s0 =	simm.s32 @!p0 $0x4  }
0x2b1: {  	_ =	swait.ge @!p0 [sflag:s0], s1  }
0x2b2: {  	s1 =	ssub.s32 @!p0 $0x0, s1;
	[sflag:s0] =	ssyncset.done @!p0 $0x0  }
0x2b3: {  	[sflag:s0] =	ssyncadd.s32 @!p0 s1  }
0x2b4: {  	[bflag:$0x3] =	sbarrier.arrive $0xFFFF  }
0x2b5: {  	_ =	shalt  }

</sc_bundles>
